<compile_context>
chip_gen: v7x
topology: tpu7x:2x2x1
jax: 0.10.2.dev20260603
libtpu: 0.0.44.dev20260713+nightly
codegen_flags: <defaults>
</compile_context>

<pallas_src>
import functools

import jax
import jax.numpy as jnp
from jax import lax
from jax.experimental import pallas as pl
from jax.experimental.pallas import tpu as pltpu
from jax.experimental.pallas import tpu_sc as plsc

B, N, K, M, D = 2, 10000, 32, 10000, 256
NC, NS, LANES = 2, 16, 16
NW = NC * NS
E = B * N * K
EPW = E // NW
CH = 20000
NCHUNK = EPW // CH


def _sc_gather(table_flat, idx_flat):
    mesh = plsc.VectorSubcoreMesh(core_axis_name="c", subcore_axis_name="s")

    @functools.partial(
        pl.kernel,
        out_type=(jax.ShapeDtypeStruct((E,), jnp.float32),) * 3,
        mesh=mesh,
        compiler_params=pltpu.CompilerParams(needs_layout_passes=False),
        scratch_types=[
            pltpu.VMEM((3 * M,), jnp.float32),
            pltpu.VMEM((CH,), jnp.int32),
            pltpu.VMEM((CH,), jnp.float32),
            pltpu.VMEM((CH,), jnp.float32),
            pltpu.VMEM((CH,), jnp.float32),
        ],
    )
    def run(tab_hbm, idx_hbm, qx_hbm, qy_hbm, qz_hbm, tab_v, idx_v, qxv, qyv, qzv):
        wid = lax.axis_index("s") * NC + lax.axis_index("c")
        pltpu.sync_copy(tab_hbm, tab_v)
        base0 = wid * EPW
        for c in range(NCHUNK):
            base = base0 + c * CH
            pltpu.sync_copy(idx_hbm.at[pl.ds(base, CH)], idx_v)

            @plsc.parallel_loop(0, CH, LANES, unroll=16)
            def body(off):
                b3 = idx_v[pl.ds(off, LANES)] * 3
                qxv[pl.ds(off, LANES)] = plsc.load_gather(tab_v, [b3])
                qyv[pl.ds(off, LANES)] = plsc.load_gather(tab_v, [b3 + 1])
                qzv[pl.ds(off, LANES)] = plsc.load_gather(tab_v, [b3 + 2])
            pltpu.sync_copy(qxv, qx_hbm.at[pl.ds(base, CH)])
            pltpu.sync_copy(qyv, qy_hbm.at[pl.ds(base, CH)])
            pltpu.sync_copy(qzv, qz_hbm.at[pl.ds(base, CH)])

    return run(table_flat, idx_flat)


BN = 1000


def _tc_one(p, qx, qy, qz, w, wbig):
    px = p[:, 0:1]
    py = p[:, 1:2]
    pz = p[:, 2:3]
    dx = px - qx
    dy = py - qy
    dz = pz - qz
    dist = jnp.sqrt(dx * dx + dy * dy + dz * dz)
    h = jnp.bfloat16
    xb = jnp.concatenate(
        [qx.astype(h), qy.astype(h), qz.astype(h), dist.astype(h)],
        axis=1)
    y = jax.lax.dot_general(
        xb, wbig, (((1,), (0,)), ((), ())),
        preferred_element_type=jnp.float32)
    acc = y[:, 0:D]
    for k in range(1, K):
        acc = jnp.maximum(acc, y[:, k * D:(k + 1) * D])
    return (acc
            + px * w[0:1, :] + py * w[1:2, :] + pz * w[2:3, :] + w[3:4, :])


def _tc_body(p_ref, qx_ref, qy_ref, qz_ref, w_ref, wbig_ref, o0_ref, o1_ref):
    w = w_ref[...]
    wbig = wbig_ref[...]
    o0_ref[...] = _tc_one(p_ref[0], qx_ref[0], qy_ref[0], qz_ref[0], w, wbig)
    o1_ref[...] = _tc_one(p_ref[1], qx_ref[1], qy_ref[1], qz_ref[1], w, wbig)


def _tc_call(p, qx, qy, qz, wpack, wbig):
    return pl.pallas_call(
        _tc_body,
        grid=(N // BN,),
        in_specs=[
            pl.BlockSpec((B, BN, 3), lambda i: (0, i, 0)),
            pl.BlockSpec((B, BN, K), lambda i: (0, i, 0)),
            pl.BlockSpec((B, BN, K), lambda i: (0, i, 0)),
            pl.BlockSpec((B, BN, K), lambda i: (0, i, 0)),
            pl.BlockSpec((4, D), lambda i: (0, 0)),
            pl.BlockSpec((4 * K, K * D), lambda i: (0, 0)),
        ],
        out_specs=[
            pl.BlockSpec((BN, D), lambda i: (i, 0)),
            pl.BlockSpec((BN, D), lambda i: (i, 0)),
        ],
        out_shape=[
            jax.ShapeDtypeStruct((N, D), jnp.float32),
            jax.ShapeDtypeStruct((N, D), jnp.float32),
        ],
    )(p, qx, qy, qz, wpack, wbig)


def kernel(points_xyz, index, all_points_xyz, W, b):
    tab = all_points_xyz.reshape(-1)
    idx = index.reshape(-1)
    qx, qy, qz = _sc_gather(tab, idx)
    qx = qx.reshape(B, N, K)
    qy = qy.reshape(B, N, K)
    qz = qz.reshape(B, N, K)
    A = W[:, 0:3] + W[:, 6:9]
    Bq = W[:, 3:6] - W[:, 6:9]
    wpack = jnp.concatenate([A.T, b[None, :]], axis=0)
    w4 = jnp.concatenate([Bq.T, W[:, 9:10].T], axis=0)
    w4h = w4.astype(jnp.bfloat16)
    eyeK = jnp.eye(K, dtype=jnp.bfloat16)
    wbig = (eyeK[None, :, :, None] * w4h[:, None, None, :]).reshape(
        4 * K, K * D)
    out0, out1 = _tc_call(points_xyz, qx, qy, qz, wpack, wbig)
    return (out0, out1)

# --- scband reference (transcript-rebuilt; emitter-appended) ---
"""Pipeline reference for scband-position-embedding-self-61014305407846 (READ-ONLY COPY).

The authoritative reference and input builder live on the scoring server;
editing this copy changes nothing except your own understanding.
"""

import jax, jax.numpy as jnp
import numpy as np

B, N, K, M, D_MODEL = 2, 10000, 32, 10000, 256

def setup_inputs(seed: int = 0) -> dict:
    key = jax.random.key(seed)
    k1, k2, k3, k4, k5 = jax.random.split(key, 5)
    points_xyz = jax.random.normal(k1, (B, N, 3), dtype=jnp.float32)
    all_points_xyz = jax.random.normal(k2, (M, 3), dtype=jnp.float32)
    index = jax.random.randint(k3, (B, N, K), 0, M, dtype=jnp.int32)
    W = jax.random.normal(k4, (D_MODEL, 10), dtype=jnp.float32) * (1.0 / np.sqrt(10.0))
    b = jax.random.normal(k5, (D_MODEL,), dtype=jnp.float32) * 0.01
    return {"points_xyz": points_xyz, "index": index, "all_points_xyz": all_points_xyz, "W": W, "b": b}

def reference(points_xyz, index, all_points_xyz, W, b):
    Bn = points_xyz.shape[0]
    pos_emd = []
    for i in range(Bn):
        points = points_xyz[i]
        index_tmp = index[i]
        points_neig_xyz = jnp.take(all_points_xyz, index_tmp, axis=0)
        Nn, Kn, _ = points_neig_xyz.shape
        expanded_points = jnp.broadcast_to(points[:, None, :], (Nn, Kn, 3))
        Point_i = expanded_points - points_neig_xyz
        distance = jnp.sqrt(jnp.sum(Point_i * Point_i, axis=-1, keepdims=True))
        all_feats = jnp.concatenate([expanded_points, points_neig_xyz, Point_i, distance], axis=-1)
        transformed_tensor = all_feats @ W.T + b
        final_tensor = jnp.max(transformed_tensor, axis=1)
        pos_emd.append(final_tensor)
    return tuple(pos_emd)

if __name__ == "__main__":
    import jax
    _d = setup_inputs()
    print(jax.jit(kernel)(*tuple(_d.values())))

</pallas_src>

<mosaic_0001>
#map = affine_map<(d0, d1) -> (0)>
module attributes {stable_mosaic.version = 14 : i64} {
  func.func @run(%arg0: i32, %arg1: i32, %arg2: memref<30000xf32, #tpu.memory_space<hbm>>, %arg3: memref<640000xi32, #tpu.memory_space<hbm>>, %arg4: memref<640000xf32, #tpu.memory_space<hbm>>, %arg5: memref<640000xf32, #tpu.memory_space<hbm>>, %arg6: memref<640000xf32, #tpu.memory_space<hbm>>, %arg7: memref<30000xf32, #tpu.memory_space<vmem>>, %arg8: memref<20000xi32, #tpu.memory_space<vmem>>, %arg9: memref<20000xf32, #tpu.memory_space<vmem>>, %arg10: memref<20000xf32, #tpu.memory_space<vmem>>, %arg11: memref<20000xf32, #tpu.memory_space<vmem>>) attributes {dimension_semantics = [#tpu.dimension_semantics<core_parallel>, #tpu.dimension_semantics<subcore_parallel>], iteration_bounds = array<i64: 2, 16>, scalar_prefetch = 0 : i64, scratch_operands = 5 : i64, tpu.core_type = #tpu.core_type<sc_vector_subcore>, window_params = [{transform_indices = #map}, {transform_indices = #map}, {transform_indices = #map}, {transform_indices = #map}, {transform_indices = #map}]} {
    %mul3A = arith.constant 2 : i32
    %mul3A_0 = arith.muli %arg1, %mul3A : i32
    %add3A = arith.addi %mul3A_0, %arg0 : i32
    "tpu.region"() ({
      %run_scoped3A = tpu.sem_alloc : memref<!tpu.dma_semaphore, #tpu.memory_space<semaphore_mem>>
      tpu.enqueue_dma source(%arg2 : memref<30000xf32, #tpu.memory_space<hbm>>) target(%arg7 : memref<30000xf32, #tpu.memory_space<vmem>>) target_semaphore(%run_scoped3A : memref<!tpu.dma_semaphore, #tpu.memory_space<semaphore_mem>>)
      tpu.wait_dma2 semaphore(%run_scoped3A : memref<!tpu.dma_semaphore, #tpu.memory_space<semaphore_mem>>) src(%arg2 : memref<30000xf32, #tpu.memory_space<hbm>>) dst(%arg7 : memref<30000xf32, #tpu.memory_space<vmem>>)
      tpu.yield
    }) : () -> ()
    %mul3A_1 = arith.constant 20000 : i32
    %mul3A_2 = arith.muli %add3A, %mul3A_1 : i32
    %add3A_3 = arith.constant 0 : i32
    %add3A_4 = arith.addi %mul3A_2, %add3A_3 : i32
    "tpu.region"() ({
      %run_scoped3A = tpu.sem_alloc : memref<!tpu.dma_semaphore, #tpu.memory_space<semaphore_mem>>
      %dma_start3A = tpu.memref_slice %arg3[%add3A_4] : memref<640000xi32, #tpu.memory_space<hbm>> -> memref<20000xi32, #tpu.memory_space<hbm>>
      %dma_start3A_7 = tpu.memref_slice %arg3[%add3A_4] : memref<640000xi32, #tpu.memory_space<hbm>> -> memref<20000xi32, #tpu.memory_space<hbm>>
      tpu.enqueue_dma source(%dma_start3A_7 : memref<20000xi32, #tpu.memory_space<hbm>>) target(%arg8 : memref<20000xi32, #tpu.memory_space<vmem>>) target_semaphore(%run_scoped3A : memref<!tpu.dma_semaphore, #tpu.memory_space<semaphore_mem>>)
      %dma_wait3A = tpu.memref_slice %arg3[%add3A_4] : memref<640000xi32, #tpu.memory_space<hbm>> -> memref<20000xi32, #tpu.memory_space<hbm>>
      %dma_wait3A_8 = tpu.memref_slice %arg3[%add3A_4] : memref<640000xi32, #tpu.memory_space<hbm>> -> memref<20000xi32, #tpu.memory_space<hbm>>
      tpu.wait_dma2 semaphore(%run_scoped3A : memref<!tpu.dma_semaphore, #tpu.memory_space<semaphore_mem>>) src(%dma_wait3A_8 : memref<20000xi32, #tpu.memory_space<hbm>>) dst(%arg8 : memref<20000xi32, #tpu.memory_space<vmem>>)
      tpu.yield
    }) : () -> ()
    %parallel_loop3A = arith.constant 0 : i32
    %parallel_loop3A_5 = arith.constant 20000 : i32
    %parallel_loop3A_6 = arith.constant 16 : i32
    scf.for %parallel_loop3A_7 = %parallel_loop3A to %parallel_loop3A_5 step %parallel_loop3A_6  : i32 {
      %parallel_loop3A_8 = arith.index_cast %parallel_loop3A_7 : i32 to index
      %parallel_loop3A_9 = tpu.vector_load %arg8[%parallel_loop3A_8] {strides = array<i32>} : memref<20000xi32, #tpu.memory_space<vmem>>, vector<16xi32>,
      %parallel_loop3A_10 = arith.constant 3 : i32
      %parallel_loop3A_11 = vector.broadcast %parallel_loop3A_10 : i32 to vector<16xi32>
      %parallel_loop3A_12 = arith.muli %parallel_loop3A_9, %parallel_loop3A_11 : vector<16xi32>
      %parallel_loop3A_13 = tpu.vector_load_idx %arg7[%parallel_loop3A_12] : memref<30000xf32, #tpu.memory_space<vmem>>[vector<16xi32>], vector<16xf32>,
      %parallel_loop3A_14 = arith.index_cast %parallel_loop3A_7 : i32 to index
      %parallel_loop3A_15 = tpu.vector_load %arg9[%parallel_loop3A_14] {strides = array<i32>} : memref<20000xf32, #tpu.memory_space<vmem>>, vector<16xf32>,
      tpu.vector_store %arg9[%parallel_loop3A_14], %parallel_loop3A_13 {strides = array<i32>} : memref<20000xf32, #tpu.memory_space<vmem>>, vector<16xf32>,
      %parallel_loop3A_16 = arith.constant 1 : i32
      %parallel_loop3A_17 = vector.broadcast %parallel_loop3A_16 : i32 to vector<16xi32>
      %parallel_loop3A_18 = arith.addi %parallel_loop3A_12, %parallel_loop3A_17 : vector<16xi32>
      %parallel_loop3A_19 = tpu.vector_load_idx %arg7[%parallel_loop3A_18] : memref<30000xf32, #tpu.memory_space<vmem>>[vector<16xi32>], vector<16xf32>,
      %parallel_loop3A_20 = arith.index_cast %parallel_loop3A_7 : i32 to index
      %parallel_loop3A_21 = tpu.vector_load %arg10[%parallel_loop3A_20] {strides = array<i32>} : memref<20000xf32, #tpu.memory_space<vmem>>, vector<16xf32>,
      tpu.vector_store %arg10[%parallel_loop3A_20], %parallel_loop3A_19 {strides = array<i32>} : memref<20000xf32, #tpu.memory_space<vmem>>, vector<16xf32>,
      %parallel_loop3A_22 = arith.constant 2 : i32
      %parallel_loop3A_23 = vector.broadcast %parallel_loop3A_22 : i32 to vector<16xi32>
      %parallel_loop3A_24 = arith.addi %parallel_loop3A_12, %parallel_loop3A_23 : vector<16xi32>
      %parallel_loop3A_25 = tpu.vector_load_idx %arg7[%parallel_loop3A_24] : memref<30000xf32, #tpu.memory_space<vmem>>[vector<16xi32>], vector<16xf32>,
      %parallel_loop3A_26 = arith.index_cast %parallel_loop3A_7 : i32 to index
      %parallel_loop3A_27 = tpu.vector_load %arg11[%parallel_loop3A_26] {strides = array<i32>} : memref<20000xf32, #tpu.memory_space<vmem>>, vector<16xf32>,
      tpu.vector_store %arg11[%parallel_loop3A_26], %parallel_loop3A_25 {strides = array<i32>} : memref<20000xf32, #tpu.memory_space<vmem>>, vector<16xf32>,
    } {sc.loop_unroll_factor = 16 : i64, sc.parallel_access}
    "tpu.region"() ({
      %run_scoped3A = tpu.sem_alloc : memref<!tpu.dma_semaphore, #tpu.memory_space<semaphore_mem>>
      %dma_start3A = tpu.memref_slice %arg4[%add3A_4] : memref<640000xf32, #tpu.memory_space<hbm>> -> memref<20000xf32, #tpu.memory_space<hbm>>
      %dma_start3A_7 = tpu.memref_slice %arg4[%add3A_4] : memref<640000xf32, #tpu.memory_space<hbm>> -> memref<20000xf32, #tpu.memory_space<hbm>>
      tpu.enqueue_dma source(%arg9 : memref<20000xf32, #tpu.memory_space<vmem>>) target(%dma_start3A_7 : memref<20000xf32, #tpu.memory_space<hbm>>) target_semaphore(%run_scoped3A : memref<!tpu.dma_semaphore, #tpu.memory_space<semaphore_mem>>)
      %dma_wait3A = tpu.memref_slice %arg4[%add3A_4] : memref<640000xf32, #tpu.memory_space<hbm>> -> memref<20000xf32, #tpu.memory_space<hbm>>
      %dma_wait3A_8 = tpu.memref_slice %arg4[%add3A_4] : memref<640000xf32, #tpu.memory_space<hbm>> -> memref<20000xf32, #tpu.memory_space<hbm>>
      tpu.wait_dma2 semaphore(%run_scoped3A : memref<!tpu.dma_semaphore, #tpu.memory_space<semaphore_mem>>) src(%arg9 : memref<20000xf32, #tpu.memory_space<vmem>>) dst(%dma_wait3A_8 : memref<20000xf32, #tpu.memory_space<hbm>>)
      tpu.yield
    }) : () -> ()
    "tpu.region"() ({
      %run_scoped3A = tpu.sem_alloc : memref<!tpu.dma_semaphore, #tpu.memory_space<semaphore_mem>>
      %dma_start3A = tpu.memref_slice %arg5[%add3A_4] : memref<640000xf32, #tpu.memory_space<hbm>> -> memref<20000xf32, #tpu.memory_space<hbm>>
      %dma_start3A_7 = tpu.memref_slice %arg5[%add3A_4] : memref<640000xf32, #tpu.memory_space<hbm>> -> memref<20000xf32, #tpu.memory_space<hbm>>
      tpu.enqueue_dma source(%arg10 : memref<20000xf32, #tpu.memory_space<vmem>>) target(%dma_start3A_7 : memref<20000xf32, #tpu.memory_space<hbm>>) target_semaphore(%run_scoped3A : memref<!tpu.dma_semaphore, #tpu.memory_space<semaphore_mem>>)
      %dma_wait3A = tpu.memref_slice %arg5[%add3A_4] : memref<640000xf32, #tpu.memory_space<hbm>> -> memref<20000xf32, #tpu.memory_space<hbm>>
      %dma_wait3A_8 = tpu.memref_slice %arg5[%add3A_4] : memref<640000xf32, #tpu.memory_space<hbm>> -> memref<20000xf32, #tpu.memory_space<hbm>>
      tpu.wait_dma2 semaphore(%run_scoped3A : memref<!tpu.dma_semaphore, #tpu.memory_space<semaphore_mem>>) src(%arg10 : memref<20000xf32, #tpu.memory_space<vmem>>) dst(%dma_wait3A_8 : memref<20000xf32, #tpu.memory_space<hbm>>)
      tpu.yield
    }) : () -> ()
    "tpu.region"() ({
      %run_scoped3A = tpu.sem_alloc : memref<!tpu.dma_semaphore, #tpu.memory_space<semaphore_mem>>
      %dma_start3A = tpu.memref_slice %arg6[%add3A_4] : memref<640000xf32, #tpu.memory_space<hbm>> -> memref<20000xf32, #tpu.memory_space<hbm>>
      %dma_start3A_7 = tpu.memref_slice %arg6[%add3A_4] : memref<640000xf32, #tpu.memory_space<hbm>> -> memref<20000xf32, #tpu.memory_space<hbm>>
      tpu.enqueue_dma source(%arg11 : memref<20000xf32, #tpu.memory_space<vmem>>) target(%dma_start3A_7 : memref<20000xf32, #tpu.memory_space<hbm>>) target_semaphore(%run_scoped3A : memref<!tpu.dma_semaphore, #tpu.memory_space<semaphore_mem>>)
      %dma_wait3A = tpu.memref_slice %arg6[%add3A_4] : memref<640000xf32, #tpu.memory_space<hbm>> -> memref<20000xf32, #tpu.memory_space<hbm>>
      %dma_wait3A_8 = tpu.memref_slice %arg6[%add3A_4] : memref<640000xf32, #tpu.memory_space<hbm>> -> memref<20000xf32, #tpu.memory_space<hbm>>
      tpu.wait_dma2 semaphore(%run_scoped3A : memref<!tpu.dma_semaphore, #tpu.memory_space<semaphore_mem>>) src(%arg11 : memref<20000xf32, #tpu.memory_space<vmem>>) dst(%dma_wait3A_8 : memref<20000xf32, #tpu.memory_space<hbm>>)
      tpu.yield
    }) : () -> ()
    return
  }
}

module attributes {stable_mosaic.version = 14 : i64} {
  func.func @_tc_body(%arg0: i32, %arg1: memref<2x1000x3xf32, #tpu.memory_space<vmem>>, %arg2: memref<2x1000x32xf32, #tpu.memory_space<vmem>>, %arg3: memref<2x1000x32xf32, #tpu.memory_space<vmem>>, %arg4: memref<2x1000x32xf32, #tpu.memory_space<vmem>>, %arg5: memref<4x256xf32, #tpu.memory_space<vmem>>, %arg6: memref<128x8192xbf16, #tpu.memory_space<vmem>>, %arg7: memref<1000x256xf32, #tpu.memory_space<vmem>>, %arg8: memref<1000x256xf32, #tpu.memory_space<vmem>>) attributes {dimension_semantics = [#tpu.dimension_semantics<arbitrary>], iteration_bounds = array<i64: 10>, scalar_prefetch = 0 : i64, scratch_operands = 0 : i64, tpu.core_type = #tpu.core_type<tc>, window_params = [{transform_indices = @transform_0, window_bounds = array<i64: 2, 1000, 3>}, {transform_indices = @transform_1, window_bounds = array<i64: 2, 1000, 32>}, {transform_indices = @transform_2, window_bounds = array<i64: 2, 1000, 32>}, {transform_indices = @transform_3, window_bounds = array<i64: 2, 1000, 32>}, {pipeline_mode = #tpu.pipeline_mode<synchronous>, transform_indices = @transform_4, window_bounds = array<i64: 4, 256>}, {pipeline_mode = #tpu.pipeline_mode<synchronous>, transform_indices = @transform_5, window_bounds = array<i64: 128, 8192>}, {transform_indices = @transform_6, window_bounds = array<i64: 1000, 256>}, {transform_indices = @transform_7, window_bounds = array<i64: 1000, 256>}]} {
    %get3A = arith.constant 0 : index
    %get3A_0 = arith.constant 0 : index
    %get3A_1 = vector.load %arg5[%get3A, %get3A_0] : memref<4x256xf32, #tpu.memory_space<vmem>>, vector<4x256xf32>
    %get3A_2 = arith.constant 0 : index
    %get3A_3 = arith.constant 0 : index
    %get3A_4 = vector.load %arg6[%get3A_2, %get3A_3] : memref<128x8192xbf16, #tpu.memory_space<vmem>>, vector<128x8192xbf16>
    %get3A_5 = arith.constant 0 : index
    %get3A_6 = arith.constant 0 : index
    %get3A_7 = arith.constant 0 : index
    %get3A_8 = vector.load %arg1[%get3A_5, %get3A_6, %get3A_7] : memref<2x1000x3xf32, #tpu.memory_space<vmem>>, vector<1x1000x3xf32>
    %get3A_9 = vector.shape_cast %get3A_8 : vector<1x1000x3xf32> to vector<1000x3xf32>
    %get3A_10 = arith.constant 0 : index
    %get3A_11 = arith.constant 0 : index
    %get3A_12 = arith.constant 0 : index
    %get3A_13 = vector.load %arg2[%get3A_10, %get3A_11, %get3A_12] : memref<2x1000x32xf32, #tpu.memory_space<vmem>>, vector<1x1000x32xf32>
    %get3A_14 = vector.shape_cast %get3A_13 : vector<1x1000x32xf32> to vector<1000x32xf32>
    %get3A_15 = arith.constant 0 : index
    %get3A_16 = arith.constant 0 : index
    %get3A_17 = arith.constant 0 : index
    %get3A_18 = vector.load %arg3[%get3A_15, %get3A_16, %get3A_17] : memref<2x1000x32xf32, #tpu.memory_space<vmem>>, vector<1x1000x32xf32>
    %get3A_19 = vector.shape_cast %get3A_18 : vector<1x1000x32xf32> to vector<1000x32xf32>
    %get3A_20 = arith.constant 0 : index
    %get3A_21 = arith.constant 0 : index
    %get3A_22 = arith.constant 0 : index
    %get3A_23 = vector.load %arg4[%get3A_20, %get3A_21, %get3A_22] : memref<2x1000x32xf32, #tpu.memory_space<vmem>>, vector<1x1000x32xf32>
    %get3A_24 = vector.shape_cast %get3A_23 : vector<1x1000x32xf32> to vector<1000x32xf32>
    %slice3A = vector.extract_strided_slice %get3A_9 {offsets = [0, 0], sizes = [1000, 1], strides = [1, 1]} : vector<1000x3xf32> to vector<1000x1xf32>
    %slice3A_25 = vector.extract_strided_slice %get3A_9 {offsets = [0, 1], sizes = [1000, 1], strides = [1, 1]} : vector<1000x3xf32> to vector<1000x1xf32>
    %slice3A_26 = vector.extract_strided_slice %get3A_9 {offsets = [0, 2], sizes = [1000, 1], strides = [1, 1]} : vector<1000x3xf32> to vector<1000x1xf32>
    %sub3A = vector.broadcast %slice3A : vector<1000x1xf32> to vector<1000x32xf32>
    %sub3A_27 = arith.subf %sub3A, %get3A_14 : vector<1000x32xf32>
    %sub3A_28 = vector.broadcast %slice3A_25 : vector<1000x1xf32> to vector<1000x32xf32>
    %sub3A_29 = arith.subf %sub3A_28, %get3A_19 : vector<1000x32xf32>
    %sub3A_30 = vector.broadcast %slice3A_26 : vector<1000x1xf32> to vector<1000x32xf32>
    %sub3A_31 = arith.subf %sub3A_30, %get3A_24 : vector<1000x32xf32>
    %mul3A = arith.mulf %sub3A_27, %sub3A_27 : vector<1000x32xf32>
    %mul3A_32 = arith.mulf %sub3A_29, %sub3A_29 : vector<1000x32xf32>
    %add3A = arith.addf %mul3A, %mul3A_32 : vector<1000x32xf32>
    %mul3A_33 = arith.mulf %sub3A_31, %sub3A_31 : vector<1000x32xf32>
    %add3A_34 = arith.addf %add3A, %mul3A_33 : vector<1000x32xf32>
    %sqrt3A = math.sqrt %add3A_34 : vector<1000x32xf32>
    %convert_element_type3A = arith.truncf %get3A_14 : vector<1000x32xf32> to vector<1000x32xbf16>
    %convert_element_type3A_35 = arith.truncf %get3A_19 : vector<1000x32xf32> to vector<1000x32xbf16>
    %convert_element_type3A_36 = arith.truncf %get3A_24 : vector<1000x32xf32> to vector<1000x32xbf16>
    %convert_element_type3A_37 = arith.truncf %sqrt3A : vector<1000x32xf32> to vector<1000x32xbf16>
    %concatenate3A = tpu.concatenate %convert_element_type3A, %convert_element_type3A_35, %convert_element_type3A_36, %convert_element_type3A_37 in 1 : vector<1000x32xbf16>, vector<1000x32xbf16>, vector<1000x32xbf16>, vector<1000x32xbf16> -> vector<1000x128xbf16>
    %dot_general3A = arith.constant dense<0.000000e+00> : vector<1000x8192xf32>
    %dot_general3A_38 = tpu.matmul %concatenate3A, %get3A_4, %dot_general3A {dimension_numbers = #tpu.dot_dimension_numbers<[1], [0], [0], [1], [0, 0, 1, 1], [], []>, transpose_lhs_hint = false} : vector<1000x128xbf16>, vector<128x8192xbf16>, vector<1000x8192xf32> -> vector<1000x8192xf32>
    %slice3A_39 = vector.extract_strided_slice %dot_general3A_38 {offsets = [0, 0], sizes = [1000, 256], strides = [1, 1]} : vector<1000x8192xf32> to vector<1000x256xf32>
    %slice3A_40 = vector.extract_strided_slice %dot_general3A_38 {offsets = [0, 256], sizes = [1000, 256], strides = [1, 1]} : vector<1000x8192xf32> to vector<1000x256xf32>
    %max3A = arith.maximumf %slice3A_39, %slice3A_40 : vector<1000x256xf32>
    %slice3A_41 = vector.extract_strided_slice %dot_general3A_38 {offsets = [0, 512], sizes = [1000, 256], strides = [1, 1]} : vector<1000x8192xf32> to vector<1000x256xf32>
    %max3A_42 = arith.maximumf %max3A, %slice3A_41 : vector<1000x256xf32>
    %slice3A_43 = vector.extract_strided_slice %dot_general3A_38 {offsets = [0, 768], sizes = [1000, 256], strides = [1, 1]} : vector<1000x8192xf32> to vector<1000x256xf32>
    %max3A_44 = arith.maximumf %max3A_42, %slice3A_43 : vector<1000x256xf32>
    %slice3A_45 = vector.extract_strided_slice %dot_general3A_38 {offsets = [0, 1024], sizes = [1000, 256], strides = [1, 1]} : vector<1000x8192xf32> to vector<1000x256xf32>
    %max3A_46 = arith.maximumf %max3A_44, %slice3A_45 : vector<1000x256xf32>
    %slice3A_47 = vector.extract_strided_slice %dot_general3A_38 {offsets = [0, 1280], sizes = [1000, 256], strides = [1, 1]} : vector<1000x8192xf32> to vector<1000x256xf32>
    %max3A_48 = arith.maximumf %max3A_46, %slice3A_47 : vector<1000x256xf32>
    %slice3A_49 = vector.extract_strided_slice %dot_general3A_38 {offsets = [0, 1536], sizes = [1000, 256], strides = [1, 1]} : vector<1000x8192xf32> to vector<1000x256xf32>
    %max3A_50 = arith.maximumf %max3A_48, %slice3A_49 : vector<1000x256xf32>
    %slice3A_51 = vector.extract_strided_slice %dot_general3A_38 {offsets = [0, 1792], sizes = [1000, 256], strides = [1, 1]} : vector<1000x8192xf32> to vector<1000x256xf32>
    %max3A_52 = arith.maximumf %max3A_50, %slice3A_51 : vector<1000x256xf32>
    %slice3A_53 = vector.extract_strided_slice %dot_general3A_38 {offsets = [0, 2048], sizes = [1000, 256], strides = [1, 1]} : vector<1000x8192xf32> to vector<1000x256xf32>
    %max3A_54 = arith.maximumf %max3A_52, %slice3A_53 : vector<1000x256xf32>
    %slice3A_55 = vector.extract_strided_slice %dot_general3A_38 {offsets = [0, 2304], sizes = [1000, 256], strides = [1, 1]} : vector<1000x8192xf32> to vector<1000x256xf32>
    %max3A_56 = arith.maximumf %max3A_54, %slice3A_55 : vector<1000x256xf32>
    %slice3A_57 = vector.extract_strided_slice %dot_general3A_38 {offsets = [0, 2560], sizes = [1000, 256], strides = [1, 1]} : vector<1000x8192xf32> to vector<1000x256xf32>
    %max3A_58 = arith.maximumf %max3A_56, %slice3A_57 : vector<1000x256xf32>
    %slice3A_59 = vector.extract_strided_slice %dot_general3A_38 {offsets = [0, 2816], sizes = [1000, 256], strides = [1, 1]} : vector<1000x8192xf32> to vector<1000x256xf32>
    %max3A_60 = arith.maximumf %max3A_58, %slice3A_59 : vector<1000x256xf32>
    %slice3A_61 = vector.extract_strided_slice %dot_general3A_38 {offsets = [0, 3072], sizes = [1000, 256], strides = [1, 1]} : vector<1000x8192xf32> to vector<1000x256xf32>
    %max3A_62 = arith.maximumf %max3A_60, %slice3A_61 : vector<1000x256xf32>
    %slice3A_63 = vector.extract_strided_slice %dot_general3A_38 {offsets = [0, 3328], sizes = [1000, 256], strides = [1, 1]} : vector<1000x8192xf32> to vector<1000x256xf32>
    %max3A_64 = arith.maximumf %max3A_62, %slice3A_63 : vector<1000x256xf32>
    %slice3A_65 = vector.extract_strided_slice %dot_general3A_38 {offsets = [0, 3584], sizes = [1000, 256], strides = [1, 1]} : vector<1000x8192xf32> to vector<1000x256xf32>
    %max3A_66 = arith.maximumf %max3A_64, %slice3A_65 : vector<1000x256xf32>
    %slice3A_67 = vector.extract_strided_slice %dot_general3A_38 {offsets = [0, 3840], sizes = [1000, 256], strides = [1, 1]} : vector<1000x8192xf32> to vector<1000x256xf32>
    %max3A_68 = arith.maximumf %max3A_66, %slice3A_67 : vector<1000x256xf32>
    %slice3A_69 = vector.extract_strided_slice %dot_general3A_38 {offsets = [0, 4096], sizes = [1000, 256], strides = [1, 1]} : vector<1000x8192xf32> to vector<1000x256xf32>
    %max3A_70 = arith.maximumf %max3A_68, %slice3A_69 : vector<1000x256xf32>
    %slice3A_71 = vector.extract_strided_slice %dot_general3A_38 {offsets = [0, 4352], sizes = [1000, 256], strides = [1, 1]} : vector<1000x8192xf32> to vector<1000x256xf32>
    %max3A_72 = arith.maximumf %max3A_70, %slice3A_71 : vector<1000x256xf32>
    %slice3A_73 = vector.extract_strided_slice %dot_general3A_38 {offsets = [0, 4608], sizes = [1000, 256], strides = [1, 1]} : vector<1000x8192xf32> to vector<1000x256xf32>
    %max3A_74 = arith.maximumf %max3A_72, %slice3A_73 : vector<1000x256xf32>
    %slice3A_75 = vector.extract_strided_slice %dot_general3A_38 {offsets = [0, 4864], sizes = [1000, 256], strides = [1, 1]} : vector<1000x8192xf32> to vector<1000x256xf32>
    %max3A_76 = arith.maximumf %max3A_74, %slice3A_75 : vector<1000x256xf32>
    %slice3A_77 = vector.extract_strided_slice %dot_general3A_38 {offsets = [0, 5120], sizes = [1000, 256], strides = [1, 1]} : vector<1000x8192xf32> to vector<1000x256xf32>
    %max3A_78 = arith.maximumf %max3A_76, %slice3A_77 : vector<1000x256xf32>
    %slice3A_79 = vector.extract_strided_slice %dot_general3A_38 {offsets = [0, 5376], sizes = [1000, 256], strides = [1, 1]} : vector<1000x8192xf32> to vector<1000x256xf32>
    %max3A_80 = arith.maximumf %max3A_78, %slice3A_79 : vector<1000x256xf32>
    %slice3A_81 = vector.extract_strided_slice %dot_general3A_38 {offsets = [0, 5632], sizes = [1000, 256], strides = [1, 1]} : vector<1000x8192xf32> to vector<1000x256xf32>
    %max3A_82 = arith.maximumf %max3A_80, %slice3A_81 : vector<1000x256xf32>
    %slice3A_83 = vector.extract_strided_slice %dot_general3A_38 {offsets = [0, 5888], sizes = [1000, 256], strides = [1, 1]} : vector<1000x8192xf32> to vector<1000x256xf32>
    %max3A_84 = arith.maximumf %max3A_82, %slice3A_83 : vector<1000x256xf32>
    %slice3A_85 = vector.extract_strided_slice %dot_general3A_38 {offsets = [0, 6144], sizes = [1000, 256], strides = [1, 1]} : vector<1000x8192xf32> to vector<1000x256xf32>
    %max3A_86 = arith.maximumf %max3A_84, %slice3A_85 : vector<1000x256xf32>
    %slice3A_87 = vector.extract_strided_slice %dot_general3A_38 {offsets = [0, 6400], sizes = [1000, 256], strides = [1, 1]} : vector<1000x8192xf32> to vector<1000x256xf32>
    %max3A_88 = arith.maximumf %max3A_86, %slice3A_87 : vector<1000x256xf32>
    %slice3A_89 = vector.extract_strided_slice %dot_general3A_38 {offsets = [0, 6656], sizes = [1000, 256], strides = [1, 1]} : vector<1000x8192xf32> to vector<1000x256xf32>
    %max3A_90 = arith.maximumf %max3A_88, %slice3A_89 : vector<1000x256xf32>
    %slice3A_91 = vector.extract_strided_slice %dot_general3A_38 {offsets = [0, 6912], sizes = [1000, 256], strides = [1, 1]} : vector<1000x8192xf32> to vector<1000x256xf32>
    %max3A_92 = arith.maximumf %max3A_90, %slice3A_91 : vector<1000x256xf32>
    %slice3A_93 = vector.extract_strided_slice %dot_general3A_38 {offsets = [0, 7168], sizes = [1000, 256], strides = [1, 1]} : vector<1000x8192xf32> to vector<1000x256xf32>
    %max3A_94 = arith.maximumf %max3A_92, %slice3A_93 : vector<1000x256xf32>
    %slice3A_95 = vector.extract_strided_slice %dot_general3A_38 {offsets = [0, 7424], sizes = [1000, 256], strides = [1, 1]} : vector<1000x8192xf32> to vector<1000x256xf32>
    %max3A_96 = arith.maximumf %max3A_94, %slice3A_95 : vector<1000x256xf32>
    %slice3A_97 = vector.extract_strided_slice %dot_general3A_38 {offsets = [0, 7680], sizes = [1000, 256], strides = [1, 1]} : vector<1000x8192xf32> to vector<1000x256xf32>
    %max3A_98 = arith.maximumf %max3A_96, %slice3A_97 : vector<1000x256xf32>
    %slice3A_99 = vector.extract_strided_slice %dot_general3A_38 {offsets = [0, 7936], sizes = [1000, 256], strides = [1, 1]} : vector<1000x8192xf32> to vector<1000x256xf32>
    %max3A_100 = arith.maximumf %max3A_98, %slice3A_99 : vector<1000x256xf32>
    %slice3A_101 = vector.extract_strided_slice %get3A_1 {offsets = [0, 0], sizes = [1, 256], strides = [1, 1]} : vector<4x256xf32> to vector<1x256xf32>
    %mul3A_102 = vector.broadcast %slice3A : vector<1000x1xf32> to vector<1000x256xf32>
    %mul3A_103 = vector.broadcast %slice3A_101 : vector<1x256xf32> to vector<1000x256xf32>
    %mul3A_104 = arith.mulf %mul3A_102, %mul3A_103 : vector<1000x256xf32>
    %add3A_105 = arith.addf %max3A_100, %mul3A_104 : vector<1000x256xf32>
    %slice3A_106 = vector.extract_strided_slice %get3A_1 {offsets = [1, 0], sizes = [1, 256], strides = [1, 1]} : vector<4x256xf32> to vector<1x256xf32>
    %mul3A_107 = vector.broadcast %slice3A_25 : vector<1000x1xf32> to vector<1000x256xf32>
    %mul3A_108 = vector.broadcast %slice3A_106 : vector<1x256xf32> to vector<1000x256xf32>
    %mul3A_109 = arith.mulf %mul3A_107, %mul3A_108 : vector<1000x256xf32>
    %add3A_110 = arith.addf %add3A_105, %mul3A_109 : vector<1000x256xf32>
    %slice3A_111 = vector.extract_strided_slice %get3A_1 {offsets = [2, 0], sizes = [1, 256], strides = [1, 1]} : vector<4x256xf32> to vector<1x256xf32>
    %mul3A_112 = vector.broadcast %slice3A_26 : vector<1000x1xf32> to vector<1000x256xf32>
    %mul3A_113 = vector.broadcast %slice3A_111 : vector<1x256xf32> to vector<1000x256xf32>
    %mul3A_114 = arith.mulf %mul3A_112, %mul3A_113 : vector<1000x256xf32>
    %add3A_115 = arith.addf %add3A_110, %mul3A_114 : vector<1000x256xf32>
    %slice3A_116 = vector.extract_strided_slice %get3A_1 {offsets = [3, 0], sizes = [1, 256], strides = [1, 1]} : vector<4x256xf32> to vector<1x256xf32>
    %add3A_117 = vector.broadcast %slice3A_116 : vector<1x256xf32> to vector<1000x256xf32>
    %add3A_118 = arith.addf %add3A_115, %add3A_117 : vector<1000x256xf32>
    %swap3A = arith.constant 0 : index
    %swap3A_119 = arith.constant 0 : index
    %swap3A_120 = vector.load %arg7[%swap3A, %swap3A_119] : memref<1000x256xf32, #tpu.memory_space<vmem>>, vector<1000x256xf32>
    tpu.vector_store %arg7[%swap3A, %swap3A_119], %add3A_118 {strides = array<i32>} : memref<1000x256xf32, #tpu.memory_space<vmem>>, vector<1000x256xf32>,
    %get3A_121 = arith.constant 1 : index
    %get3A_122 = arith.constant 0 : index
    %get3A_123 = arith.constant 0 : index
    %get3A_124 = vector.load %arg1[%get3A_121, %get3A_122, %get3A_123] : memref<2x1000x3xf32, #tpu.memory_space<vmem>>, vector<1x1000x3xf32>
    %get3A_125 = vector.shape_cast %get3A_124 : vector<1x1000x3xf32> to vector<1000x3xf32>
    %get3A_126 = arith.constant 1 : index
    %get3A_127 = arith.constant 0 : index
    %get3A_128 = arith.constant 0 : index
    %get3A_129 = vector.load %arg2[%get3A_126, %get3A_127, %get3A_128] : memref<2x1000x32xf32, #tpu.memory_space<vmem>>, vector<1x1000x32xf32>
    %get3A_130 = vector.shape_cast %get3A_129 : vector<1x1000x32xf32> to vector<1000x32xf32>
    %get3A_131 = arith.constant 1 : index
    %get3A_132 = arith.constant 0 : index
    %get3A_133 = arith.constant 0 : index
    %get3A_134 = vector.load %arg3[%get3A_131, %get3A_132, %get3A_133] : memref<2x1000x32xf32, #tpu.memory_space<vmem>>, vector<1x1000x32xf32>
    %get3A_135 = vector.shape_cast %get3A_134 : vector<1x1000x32xf32> to vector<1000x32xf32>
    %get3A_136 = arith.constant 1 : index
    %get3A_137 = arith.constant 0 : index
    %get3A_138 = arith.constant 0 : index
    %get3A_139 = vector.load %arg4[%get3A_136, %get3A_137, %get3A_138] : memref<2x1000x32xf32, #tpu.memory_space<vmem>>, vector<1x1000x32xf32>
    %get3A_140 = vector.shape_cast %get3A_139 : vector<1x1000x32xf32> to vector<1000x32xf32>
    %slice3A_141 = vector.extract_strided_slice %get3A_125 {offsets = [0, 0], sizes = [1000, 1], strides = [1, 1]} : vector<1000x3xf32> to vector<1000x1xf32>
    %slice3A_142 = vector.extract_strided_slice %get3A_125 {offsets = [0, 1], sizes = [1000, 1], strides = [1, 1]} : vector<1000x3xf32> to vector<1000x1xf32>
    %slice3A_143 = vector.extract_strided_slice %get3A_125 {offsets = [0, 2], sizes = [1000, 1], strides = [1, 1]} : vector<1000x3xf32> to vector<1000x1xf32>
    %sub3A_144 = vector.broadcast %slice3A_141 : vector<1000x1xf32> to vector<1000x32xf32>
    %sub3A_145 = arith.subf %sub3A_144, %get3A_130 : vector<1000x32xf32>
    %sub3A_146 = vector.broadcast %slice3A_142 : vector<1000x1xf32> to vector<1000x32xf32>
    %sub3A_147 = arith.subf %sub3A_146, %get3A_135 : vector<1000x32xf32>
    %sub3A_148 = vector.broadcast %slice3A_143 : vector<1000x1xf32> to vector<1000x32xf32>
    %sub3A_149 = arith.subf %sub3A_148, %get3A_140 : vector<1000x32xf32>
    %mul3A_150 = arith.mulf %sub3A_145, %sub3A_145 : vector<1000x32xf32>
    %mul3A_151 = arith.mulf %sub3A_147, %sub3A_147 : vector<1000x32xf32>
    %add3A_152 = arith.addf %mul3A_150, %mul3A_151 : vector<1000x32xf32>
    %mul3A_153 = arith.mulf %sub3A_149, %sub3A_149 : vector<1000x32xf32>
    %add3A_154 = arith.addf %add3A_152, %mul3A_153 : vector<1000x32xf32>
    %sqrt3A_155 = math.sqrt %add3A_154 : vector<1000x32xf32>
    %convert_element_type3A_156 = arith.truncf %get3A_130 : vector<1000x32xf32> to vector<1000x32xbf16>
    %convert_element_type3A_157 = arith.truncf %get3A_135 : vector<1000x32xf32> to vector<1000x32xbf16>
    %convert_element_type3A_158 = arith.truncf %get3A_140 : vector<1000x32xf32> to vector<1000x32xbf16>
    %convert_element_type3A_159 = arith.truncf %sqrt3A_155 : vector<1000x32xf32> to vector<1000x32xbf16>
    %concatenate3A_160 = tpu.concatenate %convert_element_type3A_156, %convert_element_type3A_157, %convert_element_type3A_158, %convert_element_type3A_159 in 1 : vector<1000x32xbf16>, vector<1000x32xbf16>, vector<1000x32xbf16>, vector<1000x32xbf16> -> vector<1000x128xbf16>
    %dot_general3A_161 = arith.constant dense<0.000000e+00> : vector<1000x8192xf32>
    %dot_general3A_162 = tpu.matmul %concatenate3A_160, %get3A_4, %dot_general3A_161 {dimension_numbers = #tpu.dot_dimension_numbers<[1], [0], [0], [1], [0, 0, 1, 1], [], []>, transpose_lhs_hint = false} : vector<1000x128xbf16>, vector<128x8192xbf16>, vector<1000x8192xf32> -> vector<1000x8192xf32>
    %slice3A_163 = vector.extract_strided_slice %dot_general3A_162 {offsets = [0, 0], sizes = [1000, 256], strides = [1, 1]} : vector<1000x8192xf32> to vector<1000x256xf32>
    %slice3A_164 = vector.extract_strided_slice %dot_general3A_162 {offsets = [0, 256], sizes = [1000, 256], strides = [1, 1]} : vector<1000x8192xf32> to vector<1000x256xf32>
    %max3A_165 = arith.maximumf %slice3A_163, %slice3A_164 : vector<1000x256xf32>
    %slice3A_166 = vector.extract_strided_slice %dot_general3A_162 {offsets = [0, 512], sizes = [1000, 256], strides = [1, 1]} : vector<1000x8192xf32> to vector<1000x256xf32>
    %max3A_167 = arith.maximumf %max3A_165, %slice3A_166 : vector<1000x256xf32>
    %slice3A_168 = vector.extract_strided_slice %dot_general3A_162 {offsets = [0, 768], sizes = [1000, 256], strides = [1, 1]} : vector<1000x8192xf32> to vector<1000x256xf32>
    %max3A_169 = arith.maximumf %max3A_167, %slice3A_168 : vector<1000x256xf32>
    %slice3A_170 = vector.extract_strided_slice %dot_general3A_162 {offsets = [0, 1024], sizes = [1000, 256], strides = [1, 1]} : vector<1000x8192xf32> to vector<1000x256xf32>
    %max3A_171 = arith.maximumf %max3A_169, %slice3A_170 : vector<1000x256xf32>
    %slice3A_172 = vector.extract_strided_slice %dot_general3A_162 {offsets = [0, 1280], sizes = [1000, 256], strides = [1, 1]} : vector<1000x8192xf32> to vector<1000x256xf32>
    %max3A_173 = arith.maximumf %max3A_171, %slice3A_172 : vector<1000x256xf32>
    %slice3A_174 = vector.extract_strided_slice %dot_general3A_162 {offsets = [0, 1536], sizes = [1000, 256], strides = [1, 1]} : vector<1000x8192xf32> to vector<1000x256xf32>
    %max3A_175 = arith.maximumf %max3A_173, %slice3A_174 : vector<1000x256xf32>
    %slice3A_176 = vector.extract_strided_slice %dot_general3A_162 {offsets = [0, 1792], sizes = [1000, 256], strides = [1, 1]} : vector<1000x8192xf32> to vector<1000x256xf32>
    %max3A_177 = arith.maximumf %max3A_175, %slice3A_176 : vector<1000x256xf32>
    %slice3A_178 = vector.extract_strided_slice %dot_general3A_162 {offsets = [0, 2048], sizes = [1000, 256], strides = [1, 1]} : vector<1000x8192xf32> to vector<1000x256xf32>
    %max3A_179 = arith.maximumf %max3A_177, %slice3A_178 : vector<1000x256xf32>
    %slice3A_180 = vector.extract_strided_slice %dot_general3A_162 {offsets = [0, 2304], sizes = [1000, 256], strides = [1, 1]} : vector<1000x8192xf32> to vector<1000x256xf32>
    %max3A_181 = arith.maximumf %max3A_179, %slice3A_180 : vector<1000x256xf32>
    %slice3A_182 = vector.extract_strided_slice %dot_general3A_162 {offsets = [0, 2560], sizes = [1000, 256], strides = [1, 1]} : vector<1000x8192xf32> to vector<1000x256xf32>
    %max3A_183 = arith.maximumf %max3A_181, %slice3A_182 : vector<1000x256xf32>
    %slice3A_184 = vector.extract_strided_slice %dot_general3A_162 {offsets = [0, 2816], sizes = [1000, 256], strides = [1, 1]} : vector<1000x8192xf32> to vector<1000x256xf32>
    %max3A_185 = arith.maximumf %max3A_183, %slice3A_184 : vector<1000x256xf32>
    %slice3A_186 = vector.extract_strided_slice %dot_general3A_162 {offsets = [0, 3072], sizes = [1000, 256], strides = [1, 1]} : vector<1000x8192xf32> to vector<1000x256xf32>
    %max3A_187 = arith.maximumf %max3A_185, %slice3A_186 : vector<1000x256xf32>
    %slice3A_188 = vector.extract_strided_slice %dot_general3A_162 {offsets = [0, 3328], sizes = [1000, 256], strides = [1, 1]} : vector<1000x8192xf32> to vector<1000x256xf32>
    %max3A_189 = arith.maximumf %max3A_187, %slice3A_188 : vector<1000x256xf32>
    %slice3A_190 = vector.extract_strided_slice %dot_general3A_162 {offsets = [0, 3584], sizes = [1000, 256], strides = [1, 1]} : vector<1000x8192xf32> to vector<1000x256xf32>
    %max3A_191 = arith.maximumf %max3A_189, %slice3A_190 : vector<1000x256xf32>
    %slice3A_192 = vector.extract_strided_slice %dot_general3A_162 {offsets = [0, 3840], sizes = [1000, 256], strides = [1, 1]} : vector<1000x8192xf32> to vector<1000x256xf32>
    %max3A_193 = arith.maximumf %max3A_191, %slice3A_192 : vector<1000x256xf32>
    %slice3A_194 = vector.extract_strided_slice %dot_general3A_162 {offsets = [0, 4096], sizes = [1000, 256], strides = [1, 1]} : vector<1000x8192xf32> to vector<1000x256xf32>
    %max3A_195 = arith.maximumf %max3A_193, %slice3A_194 : vector<1000x256xf32>
    %slice3A_196 = vector.extract_strided_slice %dot_general3A_162 {offsets = [0, 4352], sizes = [1000, 256], strides = [1, 1]} : vector<1000x8192xf32> to vector<1000x256xf32>
    %max3A_197 = arith.maximumf %max3A_195, %slice3A_196 : vector<1000x256xf32>
    %slice3A_198 = vector.extract_strided_slice %dot_general3A_162 {offsets = [0, 4608], sizes = [1000, 256], strides = [1, 1]} : vector<1000x8192xf32> to vector<1000x256xf32>
    %max3A_199 = arith.maximumf %max3A_197, %slice3A_198 : vector<1000x256xf32>
    %slice3A_200 = vector.extract_strided_slice %dot_general3A_162 {offsets = [0, 4864], sizes = [1000, 256], strides = [1, 1]} : vector<1000x8192xf32> to vector<1000x256xf32>
    %max3A_201 = arith.maximumf %max3A_199, %slice3A_200 : vector<1000x256xf32>
    %slice3A_202 = vector.extract_strided_slice %dot_general3A_162 {offsets = [0, 5120], sizes = [1000, 256], strides = [1, 1]} : vector<1000x8192xf32> to vector<1000x256xf32>
    %max3A_203 = arith.maximumf %max3A_201, %slice3A_202 : vector<1000x256xf32>
    %slice3A_204 = vector.extract_strided_slice %dot_general3A_162 {offsets = [0, 5376], sizes = [1000, 256], strides = [1, 1]} : vector<1000x8192xf32> to vector<1000x256xf32>
    %max3A_205 = arith.maximumf %max3A_203, %slice3A_204 : vector<1000x256xf32>
    %slice3A_206 = vector.extract_strided_slice %dot_general3A_162 {offsets = [0, 5632], sizes = [1000, 256], strides = [1, 1]} : vector<1000x8192xf32> to vector<1000x256xf32>
    %max3A_207 = arith.maximumf %max3A_205, %slice3A_206 : vector<1000x256xf32>
    %slice3A_208 = vector.extract_strided_slice %dot_general3A_162 {offsets = [0, 5888], sizes = [1000, 256], strides = [1, 1]} : vector<1000x8192xf32> to vector<1000x256xf32>
    %max3A_209 = arith.maximumf %max3A_207, %slice3A_208 : vector<1000x256xf32>
    %slice3A_210 = vector.extract_strided_slice %dot_general3A_162 {offsets = [0, 6144], sizes = [1000, 256], strides = [1, 1]} : vector<1000x8192xf32> to vector<1000x256xf32>
    %max3A_211 = arith.maximumf %max3A_209, %slice3A_210 : vector<1000x256xf32>
    %slice3A_212 = vector.extract_strided_slice %dot_general3A_162 {offsets = [0, 6400], sizes = [1000, 256], strides = [1, 1]} : vector<1000x8192xf32> to vector<1000x256xf32>
    %max3A_213 = arith.maximumf %max3A_211, %slice3A_212 : vector<1000x256xf32>
    %slice3A_214 = vector.extract_strided_slice %dot_general3A_162 {offsets = [0, 6656], sizes = [1000, 256], strides = [1, 1]} : vector<1000x8192xf32> to vector<1000x256xf32>
    %max3A_215 = arith.maximumf %max3A_213, %slice3A_214 : vector<1000x256xf32>
    %slice3A_216 = vector.extract_strided_slice %dot_general3A_162 {offsets = [0, 6912], sizes = [1000, 256], strides = [1, 1]} : vector<1000x8192xf32> to vector<1000x256xf32>
    %max3A_217 = arith.maximumf %max3A_215, %slice3A_216 : vector<1000x256xf32>
    %slice3A_218 = vector.extract_strided_slice %dot_general3A_162 {offsets = [0, 7168], sizes = [1000, 256], strides = [1, 1]} : vector<1000x8192xf32> to vector<1000x256xf32>
    %max3A_219 = arith.maximumf %max3A_217, %slice3A_218 : vector<1000x256xf32>
    %slice3A_220 = vector.extract_strided_slice %dot_general3A_162 {offsets = [0, 7424], sizes = [1000, 256], strides = [1, 1]} : vector<1000x8192xf32> to vector<1000x256xf32>
    %max3A_221 = arith.maximumf %max3A_219, %slice3A_220 : vector<1000x256xf32>
    %slice3A_222 = vector.extract_strided_slice %dot_general3A_162 {offsets = [0, 7680], sizes = [1000, 256], strides = [1, 1]} : vector<1000x8192xf32> to vector<1000x256xf32>
    %max3A_223 = arith.maximumf %max3A_221, %slice3A_222 : vector<1000x256xf32>
    %slice3A_224 = vector.extract_strided_slice %dot_general3A_162 {offsets = [0, 7936], sizes = [1000, 256], strides = [1, 1]} : vector<1000x8192xf32> to vector<1000x256xf32>
    %max3A_225 = arith.maximumf %max3A_223, %slice3A_224 : vector<1000x256xf32>
    %slice3A_226 = vector.extract_strided_slice %get3A_1 {offsets = [0, 0], sizes = [1, 256], strides = [1, 1]} : vector<4x256xf32> to vector<1x256xf32>
    %mul3A_227 = vector.broadcast %slice3A_141 : vector<1000x1xf32> to vector<1000x256xf32>
    %mul3A_228 = vector.broadcast %slice3A_226 : vector<1x256xf32> to vector<1000x256xf32>
    %mul3A_229 = arith.mulf %mul3A_227, %mul3A_228 : vector<1000x256xf32>
    %add3A_230 = arith.addf %max3A_225, %mul3A_229 : vector<1000x256xf32>
    %slice3A_231 = vector.extract_strided_slice %get3A_1 {offsets = [1, 0], sizes = [1, 256], strides = [1, 1]} : vector<4x256xf32> to vector<1x256xf32>
    %mul3A_232 = vector.broadcast %slice3A_142 : vector<1000x1xf32> to vector<1000x256xf32>
    %mul3A_233 = vector.broadcast %slice3A_231 : vector<1x256xf32> to vector<1000x256xf32>
    %mul3A_234 = arith.mulf %mul3A_232, %mul3A_233 : vector<1000x256xf32>
    %add3A_235 = arith.addf %add3A_230, %mul3A_234 : vector<1000x256xf32>
    %slice3A_236 = vector.extract_strided_slice %get3A_1 {offsets = [2, 0], sizes = [1, 256], strides = [1, 1]} : vector<4x256xf32> to vector<1x256xf32>
    %mul3A_237 = vector.broadcast %slice3A_143 : vector<1000x1xf32> to vector<1000x256xf32>
    %mul3A_238 = vector.broadcast %slice3A_236 : vector<1x256xf32> to vector<1000x256xf32>
    %mul3A_239 = arith.mulf %mul3A_237, %mul3A_238 : vector<1000x256xf32>
    %add3A_240 = arith.addf %add3A_235, %mul3A_239 : vector<1000x256xf32>
    %slice3A_241 = vector.extract_strided_slice %get3A_1 {offsets = [3, 0], sizes = [1, 256], strides = [1, 1]} : vector<4x256xf32> to vector<1x256xf32>
    %add3A_242 = vector.broadcast %slice3A_241 : vector<1x256xf32> to vector<1000x256xf32>
    %add3A_243 = arith.addf %add3A_240, %add3A_242 : vector<1000x256xf32>
    %swap3A_244 = arith.constant 0 : index
    %swap3A_245 = arith.constant 0 : index
    %swap3A_246 = vector.load %arg8[%swap3A_244, %swap3A_245] : memref<1000x256xf32, #tpu.memory_space<vmem>>, vector<1000x256xf32>
    tpu.vector_store %arg8[%swap3A_244, %swap3A_245], %add3A_243 {strides = array<i32>} : memref<1000x256xf32, #tpu.memory_space<vmem>>, vector<1000x256xf32>,
    return
  }
  func.func @transform_0(%arg0: i32) -> (i32, i32, i32) {
    %c0_i32 = arith.constant 0 : i32
    %c0_i32_0 = arith.constant 0 : i32
    %c0_i32_1 = arith.constant 0 : i32
    return %c0_i32, %arg0, %c0_i32_0 : i32, i32, i32
  }
  func.func @transform_1(%arg0: i32) -> (i32, i32, i32) {
    %c0_i32 = arith.constant 0 : i32
    %c0_i32_0 = arith.constant 0 : i32
    %c0_i32_1 = arith.constant 0 : i32
    return %c0_i32, %arg0, %c0_i32_0 : i32, i32, i32
  }
  func.func @transform_2(%arg0: i32) -> (i32, i32, i32) {
    %c0_i32 = arith.constant 0 : i32
    %c0_i32_0 = arith.constant 0 : i32
    %c0_i32_1 = arith.constant 0 : i32
    return %c0_i32, %arg0, %c0_i32_0 : i32, i32, i32
  }
  func.func @transform_3(%arg0: i32) -> (i32, i32, i32) {
    %c0_i32 = arith.constant 0 : i32
    %c0_i32_0 = arith.constant 0 : i32
    %c0_i32_1 = arith.constant 0 : i32
    return %c0_i32, %arg0, %c0_i32_0 : i32, i32, i32
  }
  func.func @transform_4(%arg0: i32) -> (i32, i32) {
    %c0_i32 = arith.constant 0 : i32
    %c0_i32_0 = arith.constant 0 : i32
    %c0_i32_1 = arith.constant 0 : i32
    return %c0_i32, %c0_i32_0 : i32, i32
  }
  func.func @transform_5(%arg0: i32) -> (i32, i32) {
    %c0_i32 = arith.constant 0 : i32
    %c0_i32_0 = arith.constant 0 : i32
    %c0_i32_1 = arith.constant 0 : i32
    return %c0_i32, %c0_i32_0 : i32, i32
  }
  func.func @transform_6(%arg0: i32) -> (i32, i32) {
    %c0_i32 = arith.constant 0 : i32
    %c0_i32_0 = arith.constant 0 : i32
    return %arg0, %c0_i32 : i32, i32
  }
  func.func @transform_7(%arg0: i32) -> (i32, i32) {
    %c0_i32 = arith.constant 0 : i32
    %c0_i32_0 = arith.constant 0 : i32
    return %arg0, %c0_i32 : i32, i32
  }
}

</mosaic_0001>

<sc_bundles>
// kernel: kernel.4.cloned.1.call-start
scs
__scs_entry_jumppad:
0x0: {  	(pc) =	sbr.rel $0x88, $3  }
0x1: {  	(tag) =	ssettag $0x0;
	lr =	simm.s32 $0x1  }
0x2: {  	[smem:$0x3F9C] =	sst lr;
	_ =	strace $0xD0000000  }
0x3: {  	_ = 	snop  }
0x4: {  	_ = 	snop  }
0x5: {  	_ = 	snop  }
0x6: {  	_ = 	snop  }
0x7: {  	_ = 	snop  }
__scs_overlays_trampoline_lowered:
0x8: {  	[smem:$0x3FAB] =	sst s0  }
0x9: {  	[smem:$0x3FAC] =	sst s1  }
0xa: {  	[smem:$0x3FAD] =	sst s2  }
0xb: {  	[smem:$0x3FAE] =	sst s3  }
0xc: {  	[smem:$0x3FAF] =	sst s4  }
0xd: {  	[smem:$0x3FB0] =	sst s5  }
0xe: {  	[smem:$0x3FB1] =	sst s6  }
0xf: {  	[smem:$0x3FB2] =	sst s7  }
0x10: {  	[smem:$0x3FB3] =	sst s8  }
0x11: {  	[smem:$0x3FB4] =	sst s9;
	s0 =	simm.s32 @!p0 $0x0  }
0x12: {  	s1 =	sld [smem:$0x3F9A];
	s0 =	simm.s32 @p0 $0x1  }
0x13: {  	[smem:$0x3FB5] =	sst s0;
	s0 =	simm.s32 @!p1 $0x0  }
0x14: {  	s2 =	sld [smem:$0x3F99];
	s0 =	simm.s32 @p1 $0x1  }
0x15: {  	[smem:$0x3FB6] =	sst s0;
	s0 =	simm.s32 @!p2 $0x0  }
0x16: {  	s3 =	sld [smem:$0x3FDB];
	s0 =	simm.s32 @p2 $0x1  }
0x17: {  	s4 =	simm.s32 $0x1BF5;
	[smem:$0x3FB8] =	sst s0  }
0x18: {  	s0 =	sld [smem:$0x3F9B];
	_ =	swait.ge [sflag:s4], $0x0  }
0x19: {  	s7 =	sld [smem:$0x3F9C]  }
0x1a: {  	s8 =	sadd.s32 $0xFFFFE003, lr  }
0x1b: {  	s9 =	sadd.s32 $0xFFFFFEF7, lr;
	s5 =	simm.s32 $0xFFFFFFFF;
	p2 =	slt.u32 s8, $0xFFFFF086  }
0x1c: {  	p1 =	slt.u32 s9, $0xF7A;
	s5 =	simm.s32 @!p2 $0x0  }
0x1d: {  	s5 =	simm.s32 @p1 $0x1;
	p0 =	seq.s32 s7, s2  }
0x1e: {  	s7 =	smul.u32 @!p0 $0xF7A, s2;
	p2 =	seq.s32 @!p0 s5, $0x0  }
0x1f: {  	s9 =	smul.u32 $0xF7A, s1;
	s8 =	simm.s32 @!p0 $0x1BF5;
	p2 =	por !p2, p0  }
0x20: {  	[sflag:s8] =	ssyncset.s32 @!p0 $0xFFFFF086;
	s6 =	sadd.s32 @!p0 s3, s7;
	s7 =	simm.s32 @!p0 $0x108  }
0x21: {  	s3 =	sadd.s32 s3, s9;
	s6 =	sadd.s32 @!p0 $0x88, s6;
	s7 =	simm.s32 @p2 $0x1082  }
0x22: {  	[simem:s7], [sflag:s8] =	dma.local @!p0 [hbm:s6], $0xF7A  }
0x23: {  	s9 =	sor.u32 $0xD0000000, s2;
	s6 =	simm.s32 $0x108;
	_ =	swait.ge @!p0 [sflag:s8], $0x0  }
0x24: {  	s3 =	sadd.s32 $0x88, s3;
	s6 =	simm.s32 @!p1 $0x1082;
	[sflag:s4] =	ssyncset.s32 $0xFFFFF086  }
0x25: {  	[simem:s6], [sflag:s4] =	dma.local [hbm:s3], $0xF7A  }
0x26: {  	[smem:$0x3F9C] =	sst s1;
	(tag) =	ssettag s2;
	_ =	strace s9  }
0x27: {  	s1 =	sld [smem:$0x3FAC]  }
0x28: {  	s2 =	sld [smem:$0x3FAD]  }
0x29: {  	s4 =	sld [smem:$0x3FAF]  }
0x2a: {  	p0 =	seq.s32 s5, $0x0;
	s5 =	sld [smem:$0x3FB0]  }
0x2b: {  	s6 =	sld [smem:$0x3FB1]  }
0x2c: {  	s7 =	sld [smem:$0x3FB2]  }
0x2d: {  	s3 =	simm.s32 $0x108;
	s8 =	sld [smem:$0x3FB3]  }
0x2e: {  	s3 =	simm.s32 @!p0 $0x1082;
	s9 =	sld [smem:$0x3FB4]  }
0x2f: {  	lr =	sadd.s32 s0, s3;
	s0 =	sld [smem:$0x3FAB]  }
0x30: {  	s3 =	sld [smem:$0x3FAE]  }
0x31: {  	[smem:$0x3FB7] =	sst s10  }
0x32: {  	s10 =	sld [smem:$0x3FB5];
	_ =	sdelay $0x3  }
0x33: {  	p0 =	seq.s32 s10, $0x1;
	s10 =	sld [smem:$0x3FB7];
	_ =	sdelay $0x3  }
0x34: {  	[smem:$0x3FB7] =	sst s10  }
0x35: {  	s10 =	sld [smem:$0x3FB6];
	_ =	sdelay $0x3  }
0x36: {  	p1 =	seq.s32 s10, $0x1;
	s10 =	sld [smem:$0x3FB7];
	_ =	sdelay $0x3  }
0x37: {  	[smem:$0x3FB7] =	sst s10  }
0x38: {  	s10 =	sld [smem:$0x3FB8]  }
0x39: {  	_ = 	snop;
	(pc) =	sbr.ind lr, $3  }
0x3a: {  	_ = 	snop  }
0x3b: {  	_ = 	snop  }
0x3c: {  	p2 =	seq.s32 s10, $0x1;
	s10 =	sld [smem:$0x3FB7]  }
0x3d: {  	_ =	shalt  }
0x3e: {  	_ =	shalt  }
0x3f: {  	_ =	shalt  }
0x40: {  	_ =	shalt  }
0x41: {  	_ =	shalt  }
0x42: {  	_ =	shalt  }
0x43: {  	_ =	shalt  }
0x44: {  	_ =	shalt  }
0x45: {  	_ =	shalt  }
0x46: {  	_ =	shalt  }
0x47: {  	_ =	shalt  }
0x48: {  	_ =	shalt  }
0x49: {  	_ =	shalt  }
0x4a: {  	_ =	shalt  }
0x4b: {  	_ =	shalt  }
0x4c: {  	_ =	shalt  }
0x4d: {  	_ =	shalt  }
0x4e: {  	_ =	shalt  }
0x4f: {  	_ =	shalt  }
0x50: {  	_ =	shalt  }
0x51: {  	_ =	shalt  }
0x52: {  	_ =	shalt  }
0x53: {  	_ =	shalt  }
0x54: {  	_ =	shalt  }
0x55: {  	_ =	shalt  }
0x56: {  	_ =	shalt  }
0x57: {  	_ =	shalt  }
0x58: {  	_ =	shalt  }
0x59: {  	_ =	shalt  }
0x5a: {  	_ =	shalt  }
0x5b: {  	_ =	shalt  }
0x5c: {  	_ =	shalt  }
0x5d: {  	_ =	shalt  }
0x5e: {  	_ =	shalt  }
0x5f: {  	_ =	shalt  }
0x60: {  	_ =	shalt  }
0x61: {  	_ =	shalt  }
0x62: {  	_ =	shalt  }
0x63: {  	_ =	shalt  }
0x64: {  	_ =	shalt  }
0x65: {  	_ =	shalt  }
0x66: {  	_ =	shalt  }
0x67: {  	_ =	shalt  }
0x68: {  	_ =	shalt  }
0x69: {  	_ =	shalt  }
0x6a: {  	_ =	shalt  }
0x6b: {  	_ =	shalt  }
0x6c: {  	_ =	shalt  }
0x6d: {  	_ =	shalt  }
0x6e: {  	_ =	shalt  }
0x6f: {  	_ =	shalt  }
0x70: {  	_ =	shalt  }
0x71: {  	_ =	shalt  }
0x72: {  	_ =	shalt  }
0x73: {  	_ =	shalt  }
0x74: {  	_ =	shalt  }
0x75: {  	_ =	shalt  }
0x76: {  	_ =	shalt  }
0x77: {  	_ =	shalt  }
0x78: {  	_ =	shalt  }
0x79: {  	_ =	shalt  }
0x7a: {  	_ =	shalt  }
0x7b: {  	_ =	shalt  }
0x7c: {  	_ =	shalt  }
0x7d: {  	_ =	shalt  }
0x7e: {  	_ =	shalt  }
0x7f: {  	_ =	shalt  }
0x80: {  	_ =	shalt  }
0x81: {  	_ =	shalt  }
0x82: {  	_ =	shalt  }
0x83: {  	_ =	shalt  }
0x84: {  	_ =	shalt  }
0x85: {  	_ =	shalt  }
0x86: {  	_ =	shalt  }
0x87: {  	_ =	shalt  }
.Lfunc_end0:
.L_simem_size_0:
called_computation_lowered:
.L_overlay_start_0:
0x88: {  	s2 =	sld [smem:$0x3FD9]  }
0x89: {  	s3 =	sld [smem:$0x3FFE];
	_ =	sdelay $0x1  }
0x8a: {  	s1 =	srdreg.scid  }
0x8b: {  	s0 =	sand.u32 $0x1, s1  }
0x8c: {  	s14 =	sshll.u32 s0, $0xA;
	s2 =	sadd.s32 s3, s2  }
0x8d: {  	s2 =	sadd.s32 s2, s14  }
0x8e: {  	[smem:$0x3FC3] =	sst s2  }
0x8f: {  	_ = 	snop  }
0x90: {  	s2 =	sld [smem:$0x3FD0];
	_ =	sdelay $0x2  }
0x91: {  	s15 =	simm.s32 $0xA;
	s4 =	simm.s32 $0x10  }
0x92: {  	[smem:s4], [sflag:s15] =	dma.local [hbm:s2], $0x1  }
0x93: {  	_ =	swait.eq [sflag:s15], $0x1  }
0x94: {  	[sflag:s15] =	ssyncset.done $0x0  }
0x95: {  	s16 =	sld [smem:$0x10];
	[sflag:s15] =	ssyncadd.s32 $0xFFFFFFFF  }
0x96: {  	s17 =	sld [smem:$0x11];
	(tm) =	ssettm $0x1  }
0x97: {  	s18 =	sld [smem:$0x3FFB];
	_ =	sdelay $0x3  }
0x98: {  	_ =	strace s18  }
0x99: {  	s4 =	sld [smem:$0x3FFC];
	_ =	sdelay $0x3  }
0x9a: {  	_ =	strace s4  }
0x9b: {  	s4 =	sld [smem:$0x3FFD];
	_ =	sdelay $0x3  }
0x9c: {  	_ =	strace s4  }
0x9d: {  	_ =	strace $0x8FFFFFFF  }
0x9e: {  	s19 =	sld [smem:$0x3FDB];
	_ =	sdelay $0x1  }
0x9f: {  	s5 =	simm.s32 $_scs_section_size  }
0xa0: {  	s6 =	simm.s32 $_size__tile_overlayer_lowered;
	s7 =	simm.s32 $_tile_overlayer_lowered  }
0xa1: {  	s22 =	simm.s32 $0x1BFF;
	s21 =	sshll.u32 s7, $0x1;
	s4 =	sadd.s32 s5, s19  }
0xa2: {  	s8 =	simm.s32 $0x0;
	s20 =	sshll.u32 s6, $0x1;
	s6 =	sadd.s32 s21, s4  }
0xa3: {  	[timem:s8], [sflag:s22] =	dma.local [hbm:s6], s20  }
0xa4: {  	_ =	swait.ge [sflag:s22], s20  }
0xa5: {  	s5 =	ssub.s32 $0x0, s20;
	[sflag:s22] =	ssyncset.done $0x0  }
0xa6: {  	[sflag:s22] =	ssyncadd.s32 s5;
	_ =	sdelay $0x1  }
0xa7: {  	s23 =	simm.s32 $0x1B8B  }
0xa8: {  	_ =	swait.ge [sflag:s23], $0x1  }
0xa9: {  	[sflag:s23] =	ssyncset.done $0x0  }
0xaa: {  	s25 =	simm.s32 $0x1B8E;
	s24 =	sld [smem:$0x3FFE];
	[sflag:s23] =	ssyncadd.s32 $0xFFFFFFFF  }
0xab: {  	s26 =	simm.s32 $execute0_lowered;
	[smem:$0x3FD2] =	sst s25  }
0xac: {  	s6 =	sshll.u32 s26, $0x1;
	_ =	strace $0x80000046;
	[dreg:$0x1] =	wrdreg $0xFFFFFFFF  }
0xad: {  	s28 =	simm.s32 $_size_execute0_lowered;
	s4 =	sadd.s32 s4, s6;
	[dreg:$0x0] =	wrdreg $0x0  }
0xae: {  	s6 =	sshll.u32 s28, $0x1;
	[dreg:$0x2] =	wrdreg s4  }
0xaf: {  	[dreg:$0x3] =	wrdreg s6  }
0xb0: {  	[dreg:$0x4] =	wrdreg $0xC0  }
0xb1: {  	_ =	task [dreg:s8], $0x5FFFF  }
0xb2: {  	[dreg:$0x1] =	wrdreg $0xFFFFFFFF  }
0xb3: {  	[dreg:$0x0] =	wrdreg $0x60  }
0xb4: {  	[dreg:$0x2] =	wrdreg s24  }
0xb5: {  	[dreg:$0x3] =	wrdreg s17  }
0xb6: {  	[dreg:$0x4] =	wrdreg s16  }
0xb7: {  	[dreg:$0x5] =	wrdreg $0x9  }
0xb8: {  	_ =	task.clear_ibuf [dreg:s8], $0x6FFFF;
	_ =	strace $0x90000046  }
0xb9: {  	s29 =	simm.s32 $0x9;
	_ =	strace $0x80000048  }
0xba: {  	_ =	swait.ge [sflag:s29], $0x1  }
0xbb: {  	[sflag:s29] =	ssyncadd.s32 $0xFFFFFFFF  }
0xbc: {  	_ =	strace $0x90000048  }
0xbd: {  	_ =	sfence  }
0xbe: {  	s30 =	sld [smem:$0x0];
	_ =	sdelay $0x2  }
0xbf: {  	s31 =	sshll.u32 s1, $0xD;
	s1 =	sshrl.u32 s1, $0x2  }
0xc0: {  	s3 =	sand.u32 $0x4000, s31;
	s1 =	sadd.s32 s1, s30  }
0xc1: {  	s0 =	sor.u32 s3, s0;
	s1 =	sshll.u32 s1, $0x11  }
0xc2: {  	s0 =	sor.u32 s1, s0  }
0xc3: {  	s0 =	sadd.s32 $0x8F2B, s0  }
0xc4: {  	[sflag:s0] =	ssyncadd.remote.s32 $0x1  }
0xc5: {  	_ =	sfence.sel $0xFFFF  }
0xc6: {  	[dreg:$0x0] =	wrdreg $0xFFFFFFFF;
	(pc) =	sbr.abs _section_cstart, $3  }
0xc7: {  	[dreg:$0x1] =	wrdreg $0xFFFFFFFF  }
0xc8: {  	_ =	task.clear_ibuf [dreg:s8], $0x2FFFF;
	_ =	strace $0x9FFFFFFF  }
0xc9: {  	(tm) =	ssettm $0x7FFFFFFF  }
tec
execute0_lowered:
.L_overlay_start_1:
0x0: {  	(tag) =	ssettag $0x1  }
0x1: {  	s4 =	rddreg [dreg:$0x0]  }
0x2: {  	s5 =	rddreg [dreg:$0x1];
	s1 =	srdreg.scid  }
0x3: {  	s0 =	stileid.u32;
	s6 =	rddreg [dreg:$0x2]  }
0x4: {  	s2 =	simm.s32 $0x0;
	s10 =	simm.s32 $0x7580;
	s11 =	simm.s32 $0xC400  }
0x5: {  	s12 =	simm.s32 $0x11280;
	s3 =	sand.u32 $0x1, s1;
	s7 =	sshll.u32 s0, $0x1  }
0x6: {  	s13 =	simm.s32 $0x16100;
	s14 =	simm.s32 $0x0;
	s7 =	sor.u32 s3, s7  }
0x7: {  	[smem:$0x7FF] =	sst s2;
	s8 =	ssub.s32 $0x2, s3;
	s7 =	smul.u32 $0x9C4, s7  }
0x8: {  	s1 =	rddreg [dreg:$0x3];
	_ =	strace $0x80000047;
	s31 =	sshrl.u32 s8, $0x1  }
0x9: {  	s3 =	sadd.s32 $0x1600, s4;
	s8 =	ssub.s32 s8, s31;
	s9 =	sadd.s32 s7, s4  }
0xa: {  	s4 =	sadd.s32 s5, s7;
	s5 =	sadd.s32 s6, s7;
	s8 =	smax.u32 s8, $0x1  }
0xb: {  	s6 =	sadd.s32 $0x2600, s9;
	s7 =	sadd.s32 $0x16000, s9;
	s9 =	simm.s32 $0x1  }
.LBB2_1:
0xc: {  	[tilespmem:s2], [sflag:$0x1] =	stream.linear.gather [hbm4b:s3+s2], $0x7580, $0x38;
	[tilespmem:$0x1AF80] =	vst v63  }
0xd: {  	_ =	swait.ge [sflag:s9], $0x7580  }
0xe: {  	[sflag:s9] =	ssyncset.done $0x0  }
0xf: {  	[sflag:s9] =	ssyncadd.s32 $0xFFFF8A80  }
0x10: {  	[tilespmem:s10], [sflag:$0x1] =	stream.linear.gather [hbm4b:s4+s2], $0x4E20, $0x38;
	[tilespmem:$0x1AF80] =	vst v63  }
0x11: {  	_ =	swait.ge [sflag:s9], $0x4E20  }
0x12: {  	[sflag:s9] =	ssyncset.done $0x0  }
0x13: {  	s16 =	simm.s32 $0x7600;
	[sflag:s9] =	ssyncadd.s32 $0xFFFFB1E0  }
0x14: {  	v0 =	vld [tilespmem:s16+$0x70]  }
0x15: {  	v1 =	vld [tilespmem:s16+$0xFFFFFF90]  }
0x16: {  	v2 =	vld [tilespmem:s16+$0xFFFFFFA0]  }
0x17: {  	v3 =	vld [tilespmem:s16+$0xFFFFFFB0]  }
0x18: {  	v4 =	vld [tilespmem:s16+$0xFFFFFFC0]  }
0x19: {  	v5 =	vld [tilespmem:s16+$0xFFFFFFD0]  }
0x1a: {  	v6 =	vld [tilespmem:s16+$0xFFFFFFE0]  }
0x1b: {  	v7 =	vld [tilespmem:s16+$0xFFFFFFF0]  }
0x1c: {  	v8 =	vld [tilespmem:s16+$0x0]  }
0x1d: {  	v9 =	vld [tilespmem:s16+$0x10]  }
0x1e: {  	v10 =	vld [tilespmem:s16+$0x20];
	v0 =	vmul.u32 $0x3, v0  }
0x1f: {  	v12 =	vld [tilespmem:s16+$0x30];
	v1 =	vmul.u32 $0x3, v1  }
0x20: {  	v13 =	vld [tilespmem:s16+$0x40];
	v2 =	vmul.u32 $0x3, v2  }
0x21: {  	v15 =	vld [tilespmem:s16+$0x50];
	v3 =	vmul.u32 $0x3, v3  }
0x22: {  	v16 =	vld [tilespmem:s16+$0x60];
	v4 =	vmul.u32 $0x3, v4  }
0x23: {  	v17 =	vld [tilespmem:s16+$0xFFFFFF80];
	v5 =	vmul.u32 $0x3, v5  }
0x24: {  	v6 =	vmul.u32 $0x3, v6;
	v11 =	vld.idx.msk [tilespmem:v0+s2+$0x0], $0xffff  }
0x25: {  	v7 =	vmul.u32 $0x3, v7;
	v18 =	vld.idx.msk [tilespmem:v1+s2+$0x0], $0xffff  }
0x26: {  	v8 =	vmul.u32 $0x3, v8;
	v33 =	vld.idx.msk [tilespmem:v2+s2+$0x0], $0xffff  }
0x27: {  	v19 =	vld.idx.msk [tilespmem:v3+s2+$0x0], $0xffff  }
0x28: {  	v17 =	vmul.u32 $0x3, v17;
	v14 =	vadd.s32 $0x1, v0;
	v20 =	vld.idx.msk [tilespmem:v4+s2+$0x0], $0xffff  }
0x29: {  	s15 =	simm.s32 $0xC480;
	v9 =	vmul.u32 $0x3, v9;
	v21 =	vld.idx.msk [tilespmem:v5+s2+$0x0], $0xffff  }
0x2a: {  	v10 =	vmul.u32 $0x3, v10;
	v34 =	vld.idx.msk [tilespmem:v6+s2+$0x0], $0xffff;
	[tilespmem:s15+$0x70] =	vst v11  }
0x2b: {  	v12 =	vmul.u32 $0x3, v12;
	v22 =	vld.idx.msk [tilespmem:v7+s2+$0x0], $0xffff;
	[tilespmem:s15+$0xFFFFFF90] =	vst v18  }
0x2c: {  	v35 =	vmul.u32 $0x3, v13;
	v37 =	vld.idx.msk [tilespmem:v8+s2+$0x0], $0xffff;
	[tilespmem:s15+$0xFFFFFFA0] =	vst v33  }
0x2d: {  	[tilespmem:s15+$0xFFFFFFB0] =	vst v19;
	v11 =	vld.idx.msk [tilespmem:v14+s2+$0x0], $0xffff  }
0x2e: {  	v36 =	vmul.u32 $0x3, v15;
	v0 =	vadd.s32 $0x2, v0;
	v39 =	vld.idx.msk [tilespmem:v17+s2+$0x0], $0xffff;
	[tilespmem:s15+$0xFFFFFFC0] =	vst v20  }
0x2f: {  	v38 =	vmul.u32 $0x3, v16;
	v40 =	vld.idx.msk [tilespmem:v9+s2+$0x0], $0xffff;
	[tilespmem:s15+$0xFFFFFFD0] =	vst v21  }
0x30: {  	v42 =	vld.idx.msk [tilespmem:v10+s2+$0x0], $0xffff;
	[tilespmem:s15+$0xFFFFFFE0] =	vst v34  }
0x31: {  	s16 =	simm.s32 $0x11300;
	v41 =	vadd.s32 $0x1, v17;
	v44 =	vld.idx.msk [tilespmem:v12+s2+$0x0], $0xffff;
	[tilespmem:s15+$0xFFFFFFF0] =	vst v22  }
0x32: {  	v43 =	vadd.s32 $0x1, v1;
	v24 =	vld.idx.msk [tilespmem:v35+s2+$0x0], $0xffff;
	[tilespmem:s16+$0x70] =	vst v11  }
0x33: {  	v23 =	vadd.s32 $0x1, v2;
	[tilespmem:s15+$0x0] =	vst v37;
	v0 =	vld.idx.msk [tilespmem:v0+s2+$0x0], $0xffff  }
0x34: {  	v25 =	vadd.s32 $0x1, v4;
	v45 =	vld.idx.msk [tilespmem:v36+s2+$0x0], $0xffff;
	[tilespmem:s15+$0xFFFFFF80] =	vst v39  }
0x35: {  	v26 =	vadd.s32 $0x1, v5;
	v46 =	vld.idx.msk [tilespmem:v38+s2+$0x0], $0xffff;
	[tilespmem:s15+$0x10] =	vst v40  }
0x36: {  	v47 =	vadd.s32 $0x1, v6;
	[tilespmem:s15+$0x20] =	vst v42;
	v20 =	vld.idx.msk [tilespmem:v41+s2+$0x0], $0xffff  }
0x37: {  	s17 =	simm.s32 $0x16180;
	v48 =	vadd.s32 $0x1, v7;
	[tilespmem:s15+$0x30] =	vst v44;
	v21 =	vld.idx.msk [tilespmem:v43+s2+$0x0], $0xffff  }
0x38: {  	v23 =	vld.idx.msk [tilespmem:v23+s2+$0x0], $0xffff;
	[tilespmem:s17+$0x70] =	vst v0;
	v0 =	vadd.s32 $0x1, v3  }
0x39: {  	v49 =	vadd.s32 $0x1, v8;
	[tilespmem:s15+$0x40] =	vst v24;
	v25 =	vld.idx.msk [tilespmem:v25+s2+$0x0], $0xffff  }
0x3a: {  	v51 =	vadd.s32 $0x1, v10;
	[tilespmem:s15+$0x50] =	vst v45;
	v26 =	vld.idx.msk [tilespmem:v26+s2+$0x0], $0xffff  }
0x3b: {  	v52 =	vadd.s32 $0x1, v12;
	[tilespmem:s15+$0x60] =	vst v46;
	v19 =	vld.idx.msk [tilespmem:v47+s2+$0x0], $0xffff  }
0x3c: {  	v53 =	vadd.s32 $0x1, v35;
	v18 =	vld.idx.msk [tilespmem:v48+s2+$0x0], $0xffff;
	[tilespmem:s16+$0xFFFFFF80] =	vst v20  }
0x3d: {  	v50 =	vadd.s32 $0x1, v9;
	[tilespmem:s16+$0xFFFFFF90] =	vst v21;
	v0 =	vld.idx.msk [tilespmem:v0+s2+$0x0], $0xffff  }
0x3e: {  	v54 =	vadd.s32 $0x1, v36;
	v22 =	vld.idx.msk [tilespmem:v49+s2+$0x0], $0xffff;
	[tilespmem:s16+$0xFFFFFFA0] =	vst v23  }
0x3f: {  	v55 =	vadd.s32 $0x1, v38;
	v14 =	vld.idx.msk [tilespmem:v51+s2+$0x0], $0xffff;
	[tilespmem:s16+$0xFFFFFFC0] =	vst v25  }
0x40: {  	v1 =	vadd.s32 $0x2, v1;
	v16 =	vld.idx.msk [tilespmem:v52+s2+$0x0], $0xffff;
	[tilespmem:s16+$0xFFFFFFD0] =	vst v26  }
0x41: {  	v17 =	vadd.s32 $0x2, v17;
	v56 =	vld.idx.msk [tilespmem:v53+s2+$0x0], $0xffff;
	[tilespmem:s16+$0xFFFFFFE0] =	vst v19  }
0x42: {  	v2 =	vadd.s32 $0x2, v2;
	[tilespmem:s16+$0xFFFFFFB0] =	vst v0;
	v0 =	vld.idx.msk [tilespmem:v50+s2+$0x0], $0xffff  }
0x43: {  	v4 =	vadd.s32 $0x2, v4;
	v57 =	vld.idx.msk [tilespmem:v54+s2+$0x0], $0xffff;
	[tilespmem:s16+$0xFFFFFFF0] =	vst v18  }
0x44: {  	v5 =	vadd.s32 $0x2, v5;
	v58 =	vld.idx.msk [tilespmem:v55+s2+$0x0], $0xffff;
	[tilespmem:s16+$0x0] =	vst v22  }
0x45: {  	v60 =	vadd.s32 $0x2, v10;
	[tilespmem:s16+$0x20] =	vst v14;
	v1 =	vld.idx.msk [tilespmem:v1+s2+$0x0], $0xffff  }
0x46: {  	[tilespmem:s16+$0x30] =	vst v16;
	v17 =	vld.idx.msk [tilespmem:v17+s2+$0x0], $0xffff;
	v3 =	vadd.s32 $0x2, v3  }
0x47: {  	v2 =	vld.idx.msk [tilespmem:v2+s2+$0x0], $0xffff;
	[tilespmem:s16+$0x10] =	vst v0;
	v0 =	vadd.s32 $0x2, v6  }
0x48: {  	[tilespmem:s16+$0x40] =	vst v56;
	v4 =	vld.idx.msk [tilespmem:v4+s2+$0x0], $0xffff;
	v6 =	vadd.s32 $0x2, v7  }
0x49: {  	[tilespmem:s16+$0x50] =	vst v57;
	v5 =	vld.idx.msk [tilespmem:v5+s2+$0x0], $0xffff;
	v7 =	vadd.s32 $0x2, v8  }
0x4a: {  	v59 =	vadd.s32 $0x2, v9;
	[tilespmem:s17+$0xFFFFFF90] =	vst v1;
	v1 =	vld.idx.msk [tilespmem:v60+s2+$0x0], $0xffff  }
0x4b: {  	v61 =	vadd.s32 $0x2, v12;
	[tilespmem:s16+$0x60] =	vst v58;
	v3 =	vld.idx.msk [tilespmem:v3+s2+$0x0], $0xffff  }
0x4c: {  	v13 =	vadd.s32 $0x2, v36;
	[tilespmem:s17+$0xFFFFFF80] =	vst v17;
	v62 =	vld.idx.msk [tilespmem:v0+s2+$0x0], $0xffff  }
0x4d: {  	v11 =	vadd.s32 $0x2, v35;
	[tilespmem:s17+$0xFFFFFFA0] =	vst v2;
	v6 =	vld.idx.msk [tilespmem:v6+s2+$0x0], $0xffff  }
0x4e: {  	v63 =	vadd.s32 $0x2, v38;
	[tilespmem:s17+$0xFFFFFFC0] =	vst v4;
	v7 =	vld.idx.msk [tilespmem:v7+s2+$0x0], $0xffff  }
0x4f: {  	[tilespmem:s17+$0xFFFFFFD0] =	vst v5;
	v0 =	vld.idx.msk [tilespmem:v59+s2+$0x0], $0xffff  }
0x50: {  	v2 =	vld.idx.msk [tilespmem:v61+s2+$0x0], $0xffff;
	[tilespmem:s17+$0xFFFFFFB0] =	vst v3  }
0x51: {  	s23 =	simm.s32 $0x0;
	v4 =	vld.idx.msk [tilespmem:v13+s2+$0x0], $0xffff;
	[tilespmem:s17+$0xFFFFFFE0] =	vst v62  }
0x52: {  	s18 =	simm.s32 $0x11200;
	s19 =	simm.s32 $0xC380;
	s20 =	simm.s32 $0x4DF0;
	v3 =	vld.idx.msk [tilespmem:v11+s2+$0x0], $0xffff;
	[tilespmem:s17+$0xFFFFFFF0] =	vst v6  }
0x53: {  	s21 =	simm.s32 $0x1AF00;
	s22 =	simm.s32 $0x16080;
	s24 =	simm.s32 $0x7700;
	v5 =	vld.idx.msk [tilespmem:v63+s2+$0x0], $0xffff;
	[tilespmem:s17+$0x0] =	vst v7  }
.LBB2_2:
0x54: {  	v6 =	vld [tilespmem:s24+$0x70];
	s23 =	sadd.s32 $0x100, s23;
	[tilespmem:s17+$0x10] =	vst v0  }
0x55: {  	v0 =	vld [tilespmem:s24+$0xFFFFFF90];
	p0 =	slt.u32 s23, $0x4D00;
	[tilespmem:s17+$0x20] =	vst v1  }
0x56: {  	v1 =	vld [tilespmem:s24+$0xFFFFFFA0];
	[tilespmem:s17+$0x30] =	vst v2  }
0x57: {  	v2 =	vld [tilespmem:s24+$0xFFFFFFB0];
	[tilespmem:s17+$0x40] =	vst v3  }
0x58: {  	v3 =	vld [tilespmem:s24+$0xFFFFFFC0];
	[tilespmem:s17+$0x50] =	vst v4  }
0x59: {  	v4 =	vld [tilespmem:s24+$0xFFFFFFD0];
	v11 =	vmul.u32 $0x3, v6;
	[tilespmem:s17+$0x60] =	vst v5  }
0x5a: {  	v9 =	vmul.u32 $0x3, v0;
	v5 =	vld [tilespmem:s24+$0xFFFFFFE0]  }
0x5b: {  	v10 =	vmul.u32 $0x3, v1;
	v6 =	vld [tilespmem:s24+$0xFFFFFFF0]  }
0x5c: {  	v12 =	vadd.s32 $0x1, v9;
	v0 =	vadd.s32 $0x2, v9;
	v13 =	vmul.u32 $0x3, v2;
	v7 =	vld [tilespmem:s24+$0x0]  }
0x5d: {  	v14 =	vadd.s32 $0x1, v10;
	v1 =	vadd.s32 $0x2, v10;
	v15 =	vmul.u32 $0x3, v3;
	v8 =	vld [tilespmem:s24+$0x10]  }
0x5e: {  	v16 =	vadd.s32 $0x1, v13;
	v2 =	vadd.s32 $0x2, v13;
	v17 =	vmul.u32 $0x3, v4;
	v18 =	vld [tilespmem:s24+$0x20]  }
0x5f: {  	v19 =	vadd.s32 $0x1, v15;
	v3 =	vadd.s32 $0x2, v15;
	v20 =	vmul.u32 $0x3, v5;
	v21 =	vld.idx.msk [tilespmem:v11+s2+$0x0], $0xffff  }
0x60: {  	v22 =	vadd.s32 $0x1, v17;
	v4 =	vadd.s32 $0x2, v17;
	v23 =	vmul.u32 $0x3, v6;
	v24 =	vld [tilespmem:s24+$0x30]  }
0x61: {  	v28 =	vadd.s32 $0x1, v11;
	v25 =	vadd.s32 $0x1, v20;
	v26 =	vmul.u32 $0x3, v7;
	v27 =	vld [tilespmem:s24+$0x40]  }
0x62: {  	v5 =	vadd.s32 $0x2, v20;
	v29 =	vadd.s32 $0x1, v23;
	v30 =	vmul.u32 $0x3, v8;
	v31 =	vld [tilespmem:s24+$0x50]  }
0x63: {  	v6 =	vadd.s32 $0x2, v23;
	v32 =	vadd.s32 $0x1, v26;
	v18 =	vmul.u32 $0x3, v18;
	v33 =	vld [tilespmem:s24+$0x60]  }
0x64: {  	s15 =	sadd.s32 $0x100, s15;
	v8 =	vadd.s32 $0x2, v26;
	v34 =	vld [tilespmem:s24+$0xFFFFFF80];
	v35 =	vadd.s32 $0x1, v30;
	v7 =	vadd.s32 $0x2, v30  }
0x65: {  	v36 =	vld.idx.msk [tilespmem:v9+s2+$0x0], $0xffff;
	v37 =	vadd.s32 $0x1, v18;
	v9 =	vadd.s32 $0x2, v18;
	v24 =	vmul.u32 $0x3, v24;
	[tilespmem:s15+$0x70] =	vst v21  }
0x66: {  	v21 =	vmul.u32 $0x3, v27;
	v27 =	vld.idx.msk [tilespmem:v28+s2+$0x0], $0xffff  }
0x67: {  	v28 =	vld.idx.msk [tilespmem:v10+s2+$0x0], $0xffff;
	v38 =	vadd.s32 $0x1, v24;
	v10 =	vadd.s32 $0x2, v24;
	v31 =	vmul.u32 $0x3, v31  }
0x68: {  	v11 =	vadd.s32 $0x2, v11;
	v13 =	vld.idx.msk [tilespmem:v13+s2+$0x0], $0xffff;
	v39 =	vadd.s32 $0x1, v21;
	v33 =	vmul.u32 $0x3, v33  }
0x69: {  	v40 =	vadd.s32 $0x2, v21;
	v34 =	vmul.u32 $0x3, v34;
	v15 =	vld.idx.msk [tilespmem:v15+s2+$0x0], $0xffff;
	v41 =	vadd.s32 $0x1, v31  }
0x6a: {  	v42 =	vadd.s32 $0x2, v31;
	v17 =	vld.idx.msk [tilespmem:v17+s2+$0x0], $0xffff;
	v43 =	vadd.s32 $0x1, v33;
	v44 =	vadd.s32 $0x2, v33  }
0x6b: {  	s16 =	sadd.s32 $0x100, s16;
	v45 =	vadd.s32 $0x1, v34;
	v46 =	vadd.s32 $0x2, v34;
	[tilespmem:s15+$0xFFFFFF90] =	vst v36;
	v20 =	vld.idx.msk [tilespmem:v20+s2+$0x0], $0xffff  }
0x6c: {  	v23 =	vld.idx.msk [tilespmem:v23+s2+$0x0], $0xffff;
	[tilespmem:s16+$0x70] =	vst v27  }
0x6d: {  	[tilespmem:s15+$0xFFFFFFA0] =	vst v28;
	v11 =	vld.idx.msk [tilespmem:v11+s2+$0x0], $0xffff  }
0x6e: {  	[tilespmem:s15+$0xFFFFFFB0] =	vst v13;
	v13 =	vld.idx.msk [tilespmem:v26+s2+$0x0], $0xffff  }
0x6f: {  	v26 =	vld.idx.msk [tilespmem:v34+s2+$0x0], $0xffff;
	[tilespmem:s15+$0xFFFFFFC0] =	vst v15  }
0x70: {  	[tilespmem:s15+$0xFFFFFFD0] =	vst v17;
	v15 =	vld.idx.msk [tilespmem:v30+s2+$0x0], $0xffff  }
0x71: {  	[tilespmem:s15+$0xFFFFFFE0] =	vst v20;
	v17 =	vld.idx.msk [tilespmem:v18+s2+$0x0], $0xffff  }
0x72: {  	s17 =	sadd.s32 $0x100, s17;
	[tilespmem:s15+$0xFFFFFFF0] =	vst v23;
	v18 =	vld.idx.msk [tilespmem:v24+s2+$0x0], $0xffff  }
0x73: {  	v20 =	vld.idx.msk [tilespmem:v21+s2+$0x0], $0xffff;
	[tilespmem:s17+$0x70] =	vst v11  }
0x74: {  	[tilespmem:s15+$0x0] =	vst v13;
	v11 =	vld.idx.msk [tilespmem:v31+s2+$0x0], $0xffff  }
0x75: {  	[tilespmem:s15+$0xFFFFFF80] =	vst v26;
	v13 =	vld.idx.msk [tilespmem:v33+s2+$0x0], $0xffff  }
0x76: {  	v21 =	vld.idx.msk [tilespmem:v45+s2+$0x0], $0xffff;
	[tilespmem:s15+$0x10] =	vst v15  }
0x77: {  	v12 =	vld.idx.msk [tilespmem:v12+s2+$0x0], $0xffff;
	[tilespmem:s15+$0x20] =	vst v17  }
0x78: {  	v14 =	vld.idx.msk [tilespmem:v14+s2+$0x0], $0xffff;
	[tilespmem:s15+$0x30] =	vst v18  }
0x79: {  	v15 =	vld.idx.msk [tilespmem:v16+s2+$0x0], $0xffff;
	[tilespmem:s15+$0x40] =	vst v20  }
0x7a: {  	v16 =	vld.idx.msk [tilespmem:v19+s2+$0x0], $0xffff;
	[tilespmem:s15+$0x50] =	vst v11  }
0x7b: {  	v11 =	vld.idx.msk [tilespmem:v22+s2+$0x0], $0xffff;
	[tilespmem:s15+$0x60] =	vst v13  }
0x7c: {  	[tilespmem:s16+$0xFFFFFF80] =	vst v21;
	v13 =	vld.idx.msk [tilespmem:v25+s2+$0x0], $0xffff  }
0x7d: {  	[tilespmem:s16+$0xFFFFFF90] =	vst v12;
	v12 =	vld.idx.msk [tilespmem:v29+s2+$0x0], $0xffff  }
0x7e: {  	[tilespmem:s16+$0xFFFFFFA0] =	vst v14;
	v14 =	vld.idx.msk [tilespmem:v32+s2+$0x0], $0xffff  }
0x7f: {  	[tilespmem:s16+$0xFFFFFFB0] =	vst v15;
	v15 =	vld.idx.msk [tilespmem:v35+s2+$0x0], $0xffff  }
0x80: {  	[tilespmem:s16+$0xFFFFFFC0] =	vst v16;
	v16 =	vld.idx.msk [tilespmem:v37+s2+$0x0], $0xffff  }
0x81: {  	[tilespmem:s16+$0xFFFFFFD0] =	vst v11;
	v11 =	vld.idx.msk [tilespmem:v38+s2+$0x0], $0xffff  }
0x82: {  	[tilespmem:s16+$0xFFFFFFE0] =	vst v13;
	v13 =	vld.idx.msk [tilespmem:v39+s2+$0x0], $0xffff  }
0x83: {  	[tilespmem:s16+$0xFFFFFFF0] =	vst v12;
	v12 =	vld.idx.msk [tilespmem:v41+s2+$0x0], $0xffff  }
0x84: {  	[tilespmem:s16+$0x0] =	vst v14;
	v14 =	vld.idx.msk [tilespmem:v43+s2+$0x0], $0xffff  }
0x85: {  	v17 =	vld.idx.msk [tilespmem:v46+s2+$0x0], $0xffff;
	[tilespmem:s16+$0x10] =	vst v15  }
0x86: {  	v0 =	vld.idx.msk [tilespmem:v0+s2+$0x0], $0xffff;
	[tilespmem:s16+$0x20] =	vst v16  }
0x87: {  	v1 =	vld.idx.msk [tilespmem:v1+s2+$0x0], $0xffff;
	[tilespmem:s16+$0x30] =	vst v11  }
0x88: {  	v2 =	vld.idx.msk [tilespmem:v2+s2+$0x0], $0xffff;
	[tilespmem:s16+$0x40] =	vst v13  }
0x89: {  	v3 =	vld.idx.msk [tilespmem:v3+s2+$0x0], $0xffff;
	[tilespmem:s16+$0x50] =	vst v12  }
0x8a: {  	v4 =	vld.idx.msk [tilespmem:v4+s2+$0x0], $0xffff;
	[tilespmem:s16+$0x60] =	vst v14  }
0x8b: {  	[tilespmem:s17+$0xFFFFFF80] =	vst v17;
	v5 =	vld.idx.msk [tilespmem:v5+s2+$0x0], $0xffff  }
0x8c: {  	[tilespmem:s17+$0xFFFFFF90] =	vst v0;
	v6 =	vld.idx.msk [tilespmem:v6+s2+$0x0], $0xffff  }
0x8d: {  	[tilespmem:s17+$0xFFFFFFA0] =	vst v1;
	v8 =	vld.idx.msk [tilespmem:v8+s2+$0x0], $0xffff  }
0x8e: {  	[tilespmem:s17+$0xFFFFFFB0] =	vst v2;
	v0 =	vld.idx.msk [tilespmem:v7+s2+$0x0], $0xffff  }
.Ltmp0:
0x8f: {  	[tilespmem:s17+$0xFFFFFFC0] =	vst v3;
	v1 =	vld.idx.msk [tilespmem:v9+s2+$0x0], $0xffff;
	(pc) =	sbr.rel @p0 .LBB2_2-.Ltmp0, $4  }
0x90: {  	[tilespmem:s17+$0xFFFFFFD0] =	vst v4;
	v2 =	vld.idx.msk [tilespmem:v10+s2+$0x0], $0xffff  }
0x91: {  	[tilespmem:s17+$0xFFFFFFE0] =	vst v5;
	v3 =	vld.idx.msk [tilespmem:v40+s2+$0x0], $0xffff  }
0x92: {  	[tilespmem:s17+$0xFFFFFFF0] =	vst v6;
	v4 =	vld.idx.msk [tilespmem:v42+s2+$0x0], $0xffff  }
0x93: {  	s24 =	sadd.s32 $0x100, s24;
	[tilespmem:s17+$0x0] =	vst v8;
	v5 =	vld.idx.msk [tilespmem:v44+s2+$0x0], $0xffff  }
0x94: {  	[tilespmem:s17+$0x10] =	vst v0  }
0x95: {  	[tilespmem:s17+$0x20] =	vst v1  }
0x96: {  	[tilespmem:s17+$0x30] =	vst v2  }
0x97: {  	[tilespmem:s17+$0x40] =	vst v3  }
0x98: {  	[tilespmem:s17+$0x50] =	vst v4  }
0x99: {  	[tilespmem:s17+$0x60] =	vst v5  }
.LBB2_4:
0x9a: {  	v0 =	vld [tilespmem:s19+$0x0];
	_ =	sdelay $0x4  }
0x9b: {  	v0 =	vmul.u32 $0x3, v0;
	_ =	sdelay $0x5  }
0x9c: {  	v1 =	vld.idx.msk [tilespmem:v0+s2+$0x0], $0xffff  }
0x9d: {  	v2 =	vadd.s32 $0x1, v0;
	_ =	sdelay $0x3  }
0x9e: {  	[tilespmem:s18+$0x0] =	vst v1  }
0x9f: {  	v1 =	vld.idx.msk [tilespmem:v2+s2+$0x0], $0xffff  }
0xa0: {  	v0 =	vadd.s32 $0x2, v0;
	_ =	sdelay $0x3  }
0xa1: {  	s20 =	sadd.s32 $0x10, s20;
	[tilespmem:s22+$0x0] =	vst v1  }
0xa2: {  	p0 =	slt.u32 s20, $0x4E10;
	v0 =	vld.idx.msk [tilespmem:v0+s2+$0x0], $0xffff  }
.Ltmp1:
0xa3: {  	_ = 	snop;
	(pc) =	sbr.rel @p0 .LBB2_4-.Ltmp1, $3  }
0xa4: {  	_ =	sdelay $0x1  }
0xa5: {  	s19 =	sadd.s32 $0x10, s19  }
0xa6: {  	s18 =	sadd.s32 $0x10, s18;
	s22 =	sadd.s32 $0x10, s22;
	[tilespmem:s21+$0x0] =	vst v0;
	s21 =	sadd.s32 $0x10, s21  }
0xa7: {  	[hbm4b:s5+s2] =	stream.linear.scatter [tilespmem:s11], [sflag:$0x1], $0x4E20, $0x38;
	[tilespmem:$0x1AF80] =	vst v63  }
0xa8: {  	_ =	swait.ge [sflag:s9], $0x4E20  }
0xa9: {  	[sflag:s9] =	ssyncset.done $0x0  }
0xaa: {  	[sflag:s9] =	ssyncadd.s32 $0xFFFFB1E0  }
0xab: {  	[hbm4b:s6+s2] =	stream.linear.scatter [tilespmem:s12], [sflag:$0x1], $0x4E20, $0x38;
	[tilespmem:$0x1AF80] =	vst v63  }
0xac: {  	s14 =	sadd.s32 $0x1, s14;
	_ =	swait.ge [sflag:s9], $0x4E20  }
0xad: {  	p0 =	sne.s32 s14, s8;
	[sflag:s9] =	ssyncset.done $0x0  }
.Ltmp2:
0xae: {  	[sflag:s9] =	ssyncadd.s32 $0xFFFFB1E0;
	(pc) =	sbr.rel @p0 .LBB2_1-.Ltmp2, $4  }
0xaf: {  	[hbm4b:s7+s2] =	stream.linear.scatter [tilespmem:s13], [sflag:$0x1], $0x4E20, $0x38;
	[tilespmem:$0x1AF80] =	vst v63  }
0xb0: {  	_ =	swait.ge [sflag:s9], $0x4E20  }
0xb1: {  	[sflag:s9] =	ssyncset.done $0x0  }
0xb2: {  	[sflag:s9] =	ssyncadd.s32 $0xFFFFB1E0  }
0xb3: {  	_ =	sfence.sel $0x180000  }
0xb4: {  	[bflag:$0x0] =	sbarrier.arrive $0xFFFF  }
0xb5: {  	p0 =	sne.s32 s0, $0x0;
	_ =	strace $0x90000047  }
0xb6: {  	s0 =	sadd.s32 @!p0 $0x100000, s1;
	[bflag:$0x2] =	sbarrier.arrive $0xFFFF  }
0xb7: {  	[sflag:s0] =	ssyncadd.tile.s32 @!p0 $0x1;
	_ =	shalt  }
.Lfunc_end2:
_tile_overlayer_lowered:
.L_overlay_start_2:
0xb8: {  	(tag) =	ssettag $0x2  }
0xb9: {  	s0 =	rddreg [dreg:$0x0];
	s2 =	stileid.u32  }
0xba: {  	s1 =	rddreg [dreg:$0x1];
	p0 =	sne.s32 s2, $0x0  }
0xbb: {  	s3 =	rddreg [dreg:$0x2];
	[bflag:$0x3] =	sbarrier.arrive $0xFFFF;
	s2 =	simm.s32 @!p0 $0x1C01  }
0xbc: {  	[timem:s3], [sflag:s2] =	dma.local @!p0 [hbm:s0], s1  }
0xbd: {  	s0 =	simm.s32 @!p0 $0x1  }
0xbe: {  	_ =	swait.ge @!p0 [sflag:s0], s1  }
0xbf: {  	s1 =	ssub.s32 @!p0 $0x0, s1;
	[sflag:s0] =	ssyncset.done @!p0 $0x0  }
0xc0: {  	[sflag:s0] =	ssyncadd.s32 @!p0 s1  }
0xc1: {  	[bflag:$0x3] =	sbarrier.arrive $0xFFFF  }
0xc2: {  	_ =	shalt  }

</sc_bundles>
